<compile_context>
chip_gen: v7x
topology: tpu7x:2x2x1
jax: 0.10.2.dev20260603
libtpu: 0.0.44.dev20260713+nightly
codegen_flags: <defaults>
</compile_context>

<pallas_src>
import functools

import jax
import jax.numpy as jnp
from jax import lax
from jax.experimental import pallas as pl
from jax.experimental.pallas import tpu as pltpu
from jax.experimental.pallas import tpu_sc as plsc

SEQ_LEN = 8192
BATCH = 2
D_MODEL = 1024

NC = 2
NS = 16
NW = NC * NS
ROWS_PER_W = SEQ_LEN // NW
TILE = 8
NT = ROWS_PER_W // TILE
NBUF = 4
PREFETCH = 2
NVEC = D_MODEL // 16


def _sc_body(x_hbm, t_hbm, out_hbm,
             a0, a1, a2, a3, b0, b1, b2, b3, t0, t1, t2, t3,
             sem_in_a, sem_in_b, sem_in_t, sem_out_a, sem_out_b):
    xa = (a0, a1, a2, a3)
    xb = (b0, b1, b2, b3)
    tv = (t0, t1, t2, t3)
    wid = lax.axis_index("s") * NC + lax.axis_index("c")
    base = wid * ROWS_PER_W

    def in_cps(g, b):
        rows = pl.ds(base + g * TILE, TILE)
        return (
            pltpu.make_async_copy(x_hbm.at[rows, 0], xa[b], sem_in_a.at[b]),
            pltpu.make_async_copy(x_hbm.at[rows, 1], xb[b], sem_in_b.at[b]),
            pltpu.make_async_copy(t_hbm.at[rows], tv[b], sem_in_t.at[b]),
        )

    def out_cps(g, b):
        rows = pl.ds(base + g * TILE, TILE)
        return (
            pltpu.make_async_copy(xa[b], out_hbm.at[rows, 0], sem_out_a.at[b]),
            pltpu.make_async_copy(xb[b], out_hbm.at[rows, 1], sem_out_b.at[b]),
        )

    def compute(b):
        va, vb, vt = xa[b], xb[b], tv[b]

        @plsc.parallel_loop(0, TILE * NVEC, unroll=2)
        def _grp(j):
            r = j // NVEC
            v = j % NVEC
            s = pl.ds(v * 16, 16)
            t = vt[r, s]
            va[r, s] = va[r, s] + t
            vb[r, s] = vb[r, s] + t

    for p in range(PREFETCH):
        for c in in_cps(p, p):
            c.start()

    def step(gg, _):
        g0 = gg * NBUF
        for b in range(NBUF):
            g = g0 + b
            nxt = g + PREFETCH
            nb = (b + PREFETCH) % NBUF

            @pl.when(nxt < NT)
            def _():
                @pl.when(nxt >= NBUF)
                def _():
                    for c in out_cps(nxt - NBUF, nb):
                        c.wait()

                for c in in_cps(nxt, nb):
                    c.start()

            for c in in_cps(g, b):
                c.wait()
            compute(b)
            for c in out_cps(g, b):
                c.start()
        return 0

    lax.fori_loop(0, NT // NBUF, step, 0)

    for i in range(NBUF):
        for c in out_cps(NT - NBUF + i, i):
            c.wait()


def kernel(x, table):
    f = functools.partial(
        pl.kernel,
        mesh=plsc.VectorSubcoreMesh(core_axis_name="c", subcore_axis_name="s"),
        out_type=jax.ShapeDtypeStruct((SEQ_LEN, BATCH, D_MODEL), jnp.float32),
        scratch_types=(
            [pltpu.VMEM((TILE, D_MODEL), jnp.float32) for _ in range(3 * NBUF)]
            + [pltpu.SemaphoreType.DMA((NBUF,)) for _ in range(5)]
        ),
    )(_sc_body)
    return f(x, table)

# --- scband reference (transcript-rebuilt; emitter-appended) ---
"""Pipeline reference for scband-learned-positional-encoding-35716948033875 (READ-ONLY COPY).

The authoritative reference and input builder live on the scoring server;
editing this copy changes nothing except your own understanding.
"""

import jax, jax.numpy as jnp
import numpy as np

SEQ_LEN = 8192
BATCH = 2
D_MODEL = 1024
MAX_LEN = 8192


def setup_inputs(seed: int = 0) -> dict:
    key = jax.random.key(seed)
    kx, kw = jax.random.split(key)
    x = jax.random.normal(kx, (SEQ_LEN, BATCH, D_MODEL), dtype=jnp.float32)
    table = jax.random.normal(kw, (MAX_LEN, D_MODEL), dtype=jnp.float32)
    # nn.Embedding(max_norm=True) renormalizes looked-up rows in-place to L2 norm <= 1.0.
    # Since every row 0..seq_len-1 is looked up, pre-renormalize the table (torch eps=1e-7).
    norms = jnp.linalg.norm(table, axis=1, keepdims=True)
    scale = jnp.where(norms > 1.0, 1.0 / (norms + 1e-7), 1.0)
    table = table * scale
    return {"x": x, "table": table}


def reference(x, table):
    # x: [seq_len, batch, d_model]
    seq_len = x.shape[0]
    pos = jnp.arange(seq_len)
    enc = jnp.take(table, pos, axis=0)          # [seq_len, d_model] embedding gather
    out = x + enc[:, None, :]                    # unsqueeze(1) broadcast over batch
    # dropout p=0.0 -> identity
    return out

if __name__ == "__main__":
    import jax
    _d = setup_inputs()
    print(jax.jit(kernel)(*tuple(_d.values())))

</pallas_src>

<mosaic_0001>
#map = affine_map<(d0, d1) -> (0, 0, 0)>
#map1 = affine_map<(d0, d1) -> (0, 0)>
module attributes {stable_mosaic.version = 14 : i64} {
  func.func @_sc_body(%arg0: i32, %arg1: i32, %arg2: memref<8192x2x1024xf32, #tpu.memory_space<hbm>>, %arg3: memref<8192x1024xf32, #tpu.memory_space<hbm>>, %arg4: memref<8192x2x1024xf32, #tpu.memory_space<hbm>>, %arg5: memref<8x1024xf32, #tpu.memory_space<vmem>>, %arg6: memref<8x1024xf32, #tpu.memory_space<vmem>>, %arg7: memref<8x1024xf32, #tpu.memory_space<vmem>>, %arg8: memref<8x1024xf32, #tpu.memory_space<vmem>>, %arg9: memref<8x1024xf32, #tpu.memory_space<vmem>>, %arg10: memref<8x1024xf32, #tpu.memory_space<vmem>>, %arg11: memref<8x1024xf32, #tpu.memory_space<vmem>>, %arg12: memref<8x1024xf32, #tpu.memory_space<vmem>>, %arg13: memref<8x1024xf32, #tpu.memory_space<vmem>>, %arg14: memref<8x1024xf32, #tpu.memory_space<vmem>>, %arg15: memref<8x1024xf32, #tpu.memory_space<vmem>>, %arg16: memref<8x1024xf32, #tpu.memory_space<vmem>>, %arg17: memref<4x!tpu.dma_semaphore, #tpu.memory_space<semaphore_mem>>, %arg18: memref<4x!tpu.dma_semaphore, #tpu.memory_space<semaphore_mem>>, %arg19: memref<4x!tpu.dma_semaphore, #tpu.memory_space<semaphore_mem>>, %arg20: memref<4x!tpu.dma_semaphore, #tpu.memory_space<semaphore_mem>>, %arg21: memref<4x!tpu.dma_semaphore, #tpu.memory_space<semaphore_mem>>) attributes {dimension_semantics = [#tpu.dimension_semantics<core_parallel>, #tpu.dimension_semantics<subcore_parallel>], iteration_bounds = array<i64: 2, 16>, scalar_prefetch = 0 : i64, scratch_operands = 17 : i64, tpu.core_type = #tpu.core_type<sc_vector_subcore>, window_params = [{transform_indices = #map}, {transform_indices = #map1}, {transform_indices = #map}]} {
    %mul3A = arith.constant 2 : i32
    %mul3A_0 = arith.muli %arg1, %mul3A : i32
    %add3A = arith.addi %mul3A_0, %arg0 : i32
    %mul3A_1 = arith.constant 256 : i32
    %mul3A_2 = arith.muli %add3A, %mul3A_1 : i32
    %add3A_3 = arith.constant 0 : i32
    %add3A_4 = arith.addi %mul3A_2, %add3A_3 : i32
    %dma_start3A = arith.constant 0 : i32
    %dma_start3A_5 = arith.constant 0 : i32
    %dma_start3A_6 = arith.constant 0 : i32
    %dma_start3A_7 = tpu.memref_slice %arg2[%add3A_4, %dma_start3A, %dma_start3A_6] : memref<8192x2x1024xf32, #tpu.memory_space<hbm>> -> memref<8x1x1024xf32, #tpu.memory_space<hbm>>
    %dma_start3A_8 = tpu.memref_squeeze %dma_start3A_7 : memref<8x1x1024xf32, #tpu.memory_space<hbm>> -> memref<8x1024xf32, #tpu.memory_space<hbm>>
    %dma_start3A_9 = tpu.memref_slice %arg17[%dma_start3A_5] : memref<4x!tpu.dma_semaphore, #tpu.memory_space<semaphore_mem>> -> memref<1x!tpu.dma_semaphore, #tpu.memory_space<semaphore_mem>>
    %dma_start3A_10 = tpu.memref_squeeze %dma_start3A_9 : memref<1x!tpu.dma_semaphore, #tpu.memory_space<semaphore_mem>> -> memref<!tpu.dma_semaphore, #tpu.memory_space<semaphore_mem>>
    %dma_start3A_11 = arith.constant 0 : i32
    %dma_start3A_12 = tpu.memref_slice %arg2[%add3A_4, %dma_start3A, %dma_start3A_11] : memref<8192x2x1024xf32, #tpu.memory_space<hbm>> -> memref<8x1x1024xf32, #tpu.memory_space<hbm>>
    %dma_start3A_13 = tpu.memref_squeeze %dma_start3A_12 : memref<8x1x1024xf32, #tpu.memory_space<hbm>> -> memref<8x1024xf32, #tpu.memory_space<hbm>>
    tpu.enqueue_dma source(%dma_start3A_13 : memref<8x1024xf32, #tpu.memory_space<hbm>>) target(%arg5 : memref<8x1024xf32, #tpu.memory_space<vmem>>) target_semaphore(%dma_start3A_10 : memref<!tpu.dma_semaphore, #tpu.memory_space<semaphore_mem>>)
    %dma_start3A_14 = arith.constant 1 : i32
    %dma_start3A_15 = arith.constant 0 : i32
    %dma_start3A_16 = arith.constant 0 : i32
    %dma_start3A_17 = tpu.memref_slice %arg2[%add3A_4, %dma_start3A_14, %dma_start3A_16] : memref<8192x2x1024xf32, #tpu.memory_space<hbm>> -> memref<8x1x1024xf32, #tpu.memory_space<hbm>>
    %dma_start3A_18 = tpu.memref_squeeze %dma_start3A_17 : memref<8x1x1024xf32, #tpu.memory_space<hbm>> -> memref<8x1024xf32, #tpu.memory_space<hbm>>
    %dma_start3A_19 = tpu.memref_slice %arg18[%dma_start3A_15] : memref<4x!tpu.dma_semaphore, #tpu.memory_space<semaphore_mem>> -> memref<1x!tpu.dma_semaphore, #tpu.memory_space<semaphore_mem>>
    %dma_start3A_20 = tpu.memref_squeeze %dma_start3A_19 : memref<1x!tpu.dma_semaphore, #tpu.memory_space<semaphore_mem>> -> memref<!tpu.dma_semaphore, #tpu.memory_space<semaphore_mem>>
    %dma_start3A_21 = arith.constant 0 : i32
    %dma_start3A_22 = tpu.memref_slice %arg2[%add3A_4, %dma_start3A_14, %dma_start3A_21] : memref<8192x2x1024xf32, #tpu.memory_space<hbm>> -> memref<8x1x1024xf32, #tpu.memory_space<hbm>>
    %dma_start3A_23 = tpu.memref_squeeze %dma_start3A_22 : memref<8x1x1024xf32, #tpu.memory_space<hbm>> -> memref<8x1024xf32, #tpu.memory_space<hbm>>
    tpu.enqueue_dma source(%dma_start3A_23 : memref<8x1024xf32, #tpu.memory_space<hbm>>) target(%arg9 : memref<8x1024xf32, #tpu.memory_space<vmem>>) target_semaphore(%dma_start3A_20 : memref<!tpu.dma_semaphore, #tpu.memory_space<semaphore_mem>>)
    %dma_start3A_24 = arith.constant 0 : i32
    %dma_start3A_25 = arith.constant 0 : i32
    %dma_start3A_26 = tpu.memref_slice %arg3[%add3A_4, %dma_start3A_25] : memref<8192x1024xf32, #tpu.memory_space<hbm>> -> memref<8x1024xf32, #tpu.memory_space<hbm>>
    %dma_start3A_27 = tpu.memref_slice %arg19[%dma_start3A_24] : memref<4x!tpu.dma_semaphore, #tpu.memory_space<semaphore_mem>> -> memref<1x!tpu.dma_semaphore, #tpu.memory_space<semaphore_mem>>
    %dma_start3A_28 = tpu.memref_squeeze %dma_start3A_27 : memref<1x!tpu.dma_semaphore, #tpu.memory_space<semaphore_mem>> -> memref<!tpu.dma_semaphore, #tpu.memory_space<semaphore_mem>>
    %dma_start3A_29 = arith.constant 0 : i32
    %dma_start3A_30 = tpu.memref_slice %arg3[%add3A_4, %dma_start3A_29] : memref<8192x1024xf32, #tpu.memory_space<hbm>> -> memref<8x1024xf32, #tpu.memory_space<hbm>>
    tpu.enqueue_dma source(%dma_start3A_30 : memref<8x1024xf32, #tpu.memory_space<hbm>>) target(%arg13 : memref<8x1024xf32, #tpu.memory_space<vmem>>) target_semaphore(%dma_start3A_28 : memref<!tpu.dma_semaphore, #tpu.memory_space<semaphore_mem>>)
    %add3A_31 = arith.constant 8 : i32
    %add3A_32 = arith.addi %mul3A_2, %add3A_31 : i32
    %dma_start3A_33 = arith.constant 0 : i32
    %dma_start3A_34 = arith.constant 1 : i32
    %dma_start3A_35 = arith.constant 0 : i32
    %dma_start3A_36 = tpu.memref_slice %arg2[%add3A_32, %dma_start3A_33, %dma_start3A_35] : memref<8192x2x1024xf32, #tpu.memory_space<hbm>> -> memref<8x1x1024xf32, #tpu.memory_space<hbm>>
    %dma_start3A_37 = tpu.memref_squeeze %dma_start3A_36 : memref<8x1x1024xf32, #tpu.memory_space<hbm>> -> memref<8x1024xf32, #tpu.memory_space<hbm>>
    %dma_start3A_38 = tpu.memref_slice %arg17[%dma_start3A_34] : memref<4x!tpu.dma_semaphore, #tpu.memory_space<semaphore_mem>> -> memref<1x!tpu.dma_semaphore, #tpu.memory_space<semaphore_mem>>
    %dma_start3A_39 = tpu.memref_squeeze %dma_start3A_38 : memref<1x!tpu.dma_semaphore, #tpu.memory_space<semaphore_mem>> -> memref<!tpu.dma_semaphore, #tpu.memory_space<semaphore_mem>>
    %dma_start3A_40 = arith.constant 0 : i32
    %dma_start3A_41 = tpu.memref_slice %arg2[%add3A_32, %dma_start3A_33, %dma_start3A_40] : memref<8192x2x1024xf32, #tpu.memory_space<hbm>> -> memref<8x1x1024xf32, #tpu.memory_space<hbm>>
    %dma_start3A_42 = tpu.memref_squeeze %dma_start3A_41 : memref<8x1x1024xf32, #tpu.memory_space<hbm>> -> memref<8x1024xf32, #tpu.memory_space<hbm>>
    tpu.enqueue_dma source(%dma_start3A_42 : memref<8x1024xf32, #tpu.memory_space<hbm>>) target(%arg6 : memref<8x1024xf32, #tpu.memory_space<vmem>>) target_semaphore(%dma_start3A_39 : memref<!tpu.dma_semaphore, #tpu.memory_space<semaphore_mem>>)
    %dma_start3A_43 = arith.constant 1 : i32
    %dma_start3A_44 = arith.constant 1 : i32
    %dma_start3A_45 = arith.constant 0 : i32
    %dma_start3A_46 = tpu.memref_slice %arg2[%add3A_32, %dma_start3A_43, %dma_start3A_45] : memref<8192x2x1024xf32, #tpu.memory_space<hbm>> -> memref<8x1x1024xf32, #tpu.memory_space<hbm>>
    %dma_start3A_47 = tpu.memref_squeeze %dma_start3A_46 : memref<8x1x1024xf32, #tpu.memory_space<hbm>> -> memref<8x1024xf32, #tpu.memory_space<hbm>>
    %dma_start3A_48 = tpu.memref_slice %arg18[%dma_start3A_44] : memref<4x!tpu.dma_semaphore, #tpu.memory_space<semaphore_mem>> -> memref<1x!tpu.dma_semaphore, #tpu.memory_space<semaphore_mem>>
    %dma_start3A_49 = tpu.memref_squeeze %dma_start3A_48 : memref<1x!tpu.dma_semaphore, #tpu.memory_space<semaphore_mem>> -> memref<!tpu.dma_semaphore, #tpu.memory_space<semaphore_mem>>
    %dma_start3A_50 = arith.constant 0 : i32
    %dma_start3A_51 = tpu.memref_slice %arg2[%add3A_32, %dma_start3A_43, %dma_start3A_50] : memref<8192x2x1024xf32, #tpu.memory_space<hbm>> -> memref<8x1x1024xf32, #tpu.memory_space<hbm>>
    %dma_start3A_52 = tpu.memref_squeeze %dma_start3A_51 : memref<8x1x1024xf32, #tpu.memory_space<hbm>> -> memref<8x1024xf32, #tpu.memory_space<hbm>>
    tpu.enqueue_dma source(%dma_start3A_52 : memref<8x1024xf32, #tpu.memory_space<hbm>>) target(%arg10 : memref<8x1024xf32, #tpu.memory_space<vmem>>) target_semaphore(%dma_start3A_49 : memref<!tpu.dma_semaphore, #tpu.memory_space<semaphore_mem>>)
    %dma_start3A_53 = arith.constant 1 : i32
    %dma_start3A_54 = arith.constant 0 : i32
    %dma_start3A_55 = tpu.memref_slice %arg3[%add3A_32, %dma_start3A_54] : memref<8192x1024xf32, #tpu.memory_space<hbm>> -> memref<8x1024xf32, #tpu.memory_space<hbm>>
    %dma_start3A_56 = tpu.memref_slice %arg19[%dma_start3A_53] : memref<4x!tpu.dma_semaphore, #tpu.memory_space<semaphore_mem>> -> memref<1x!tpu.dma_semaphore, #tpu.memory_space<semaphore_mem>>
    %dma_start3A_57 = tpu.memref_squeeze %dma_start3A_56 : memref<1x!tpu.dma_semaphore, #tpu.memory_space<semaphore_mem>> -> memref<!tpu.dma_semaphore, #tpu.memory_space<semaphore_mem>>
    %dma_start3A_58 = arith.constant 0 : i32
    %dma_start3A_59 = tpu.memref_slice %arg3[%add3A_32, %dma_start3A_58] : memref<8192x1024xf32, #tpu.memory_space<hbm>> -> memref<8x1024xf32, #tpu.memory_space<hbm>>
    tpu.enqueue_dma source(%dma_start3A_59 : memref<8x1024xf32, #tpu.memory_space<hbm>>) target(%arg14 : memref<8x1024xf32, #tpu.memory_space<vmem>>) target_semaphore(%dma_start3A_57 : memref<!tpu.dma_semaphore, #tpu.memory_space<semaphore_mem>>)
    %scan3A = arith.constant 0 : i32
    %scan3A_60 = arith.constant 0 : i32
    %scan3A_61 = arith.constant 8 : i32
    %scan3A_62 = arith.addi %scan3A_60, %scan3A_61 : i32
    %scan3A_63 = arith.constant 1 : i32
    %scan3A_64 = scf.for %scan3A_153 = %scan3A_60 to %scan3A_62 step %scan3A_63 iter_args(%scan3A_154 = %scan3A) -> (i32)  : i32 {
      %mul3A_155 = arith.constant 4 : i32
      %mul3A_156 = arith.muli %scan3A_153, %mul3A_155 : i32
      %add3A_157 = arith.constant 0 : i32
      %add3A_158 = arith.addi %mul3A_156, %add3A_157 : i32
      %add3A_159 = arith.constant 2 : i32
      %add3A_160 = arith.addi %add3A_158, %add3A_159 : i32
      %lt3A = arith.constant 32 : i32
      %lt3A_161 = arith.cmpi slt, %add3A_160, %lt3A : i32
      %convert_element_type3A = arith.extui %lt3A_161 : i1 to i32
      %cond3A = arith.constant 0 : i32
      %cond3A_162 = arith.cmpi ne, %convert_element_type3A, %cond3A : i32
      scf.if %cond3A_162 {
        %ge3A = arith.constant 4 : i32
        %ge3A_414 = arith.cmpi sge, %add3A_160, %ge3A : i32
        %convert_element_type3A_415 = arith.extui %ge3A_414 : i1 to i32
        %cond3A_416 = arith.constant 0 : i32
        %cond3A_417 = arith.cmpi ne, %convert_element_type3A_415, %cond3A_416 : i32
        scf.if %cond3A_417 {
          %sub3A = arith.constant 4 : i32
          %sub3A_448 = arith.subi %add3A_160, %sub3A : i32
          %mul3A_449 = arith.constant 8 : i32
          %mul3A_450 = arith.muli %sub3A_448, %mul3A_449 : i32
          %add3A_451 = arith.addi %mul3A_2, %mul3A_450 : i32
          %dma_wait3A_452 = arith.constant 0 : i32
          %dma_wait3A_453 = arith.constant 2 : i32
          %dma_wait3A_454 = arith.constant 0 : i32
          %dma_wait3A_455 = tpu.memref_slice %arg4[%add3A_451, %dma_wait3A_452, %dma_wait3A_454] : memref<8192x2x1024xf32, #tpu.memory_space<hbm>> -> memref<8x1x1024xf32, #tpu.memory_space<hbm>>
          %dma_wait3A_456 = tpu.memref_squeeze %dma_wait3A_455 : memref<8x1x1024xf32, #tpu.memory_space<hbm>> -> memref<8x1024xf32, #tpu.memory_space<hbm>>
          %dma_wait3A_457 = tpu.memref_slice %arg20[%dma_wait3A_453] : memref<4x!tpu.dma_semaphore, #tpu.memory_space<semaphore_mem>> -> memref<1x!tpu.dma_semaphore, #tpu.memory_space<semaphore_mem>>
          %dma_wait3A_458 = tpu.memref_squeeze %dma_wait3A_457 : memref<1x!tpu.dma_semaphore, #tpu.memory_space<semaphore_mem>> -> memref<!tpu.dma_semaphore, #tpu.memory_space<semaphore_mem>>
          %dma_wait3A_459 = arith.constant 0 : i32
          %dma_wait3A_460 = tpu.memref_slice %arg4[%add3A_451, %dma_wait3A_452, %dma_wait3A_459] : memref<8192x2x1024xf32, #tpu.memory_space<hbm>> -> memref<8x1x1024xf32, #tpu.memory_space<hbm>>
          %dma_wait3A_461 = tpu.memref_squeeze %dma_wait3A_460 : memref<8x1x1024xf32, #tpu.memory_space<hbm>> -> memref<8x1024xf32, #tpu.memory_space<hbm>>
          tpu.wait_dma2 semaphore(%dma_wait3A_458 : memref<!tpu.dma_semaphore, #tpu.memory_space<semaphore_mem>>) src(%arg7 : memref<8x1024xf32, #tpu.memory_space<vmem>>) dst(%dma_wait3A_461 : memref<8x1024xf32, #tpu.memory_space<hbm>>)
          %dma_wait3A_462 = arith.constant 1 : i32
          %dma_wait3A_463 = arith.constant 2 : i32
          %dma_wait3A_464 = arith.constant 0 : i32
          %dma_wait3A_465 = tpu.memref_slice %arg4[%add3A_451, %dma_wait3A_462, %dma_wait3A_464] : memref<8192x2x1024xf32, #tpu.memory_space<hbm>> -> memref<8x1x1024xf32, #tpu.memory_space<hbm>>
          %dma_wait3A_466 = tpu.memref_squeeze %dma_wait3A_465 : memref<8x1x1024xf32, #tpu.memory_space<hbm>> -> memref<8x1024xf32, #tpu.memory_space<hbm>>
          %dma_wait3A_467 = tpu.memref_slice %arg21[%dma_wait3A_463] : memref<4x!tpu.dma_semaphore, #tpu.memory_space<semaphore_mem>> -> memref<1x!tpu.dma_semaphore, #tpu.memory_space<semaphore_mem>>
          %dma_wait3A_468 = tpu.memref_squeeze %dma_wait3A_467 : memref<1x!tpu.dma_semaphore, #tpu.memory_space<semaphore_mem>> -> memref<!tpu.dma_semaphore, #tpu.memory_space<semaphore_mem>>
          %dma_wait3A_469 = arith.constant 0 : i32
          %dma_wait3A_470 = tpu.memref_slice %arg4[%add3A_451, %dma_wait3A_462, %dma_wait3A_469] : memref<8192x2x1024xf32, #tpu.memory_space<hbm>> -> memref<8x1x1024xf32, #tpu.memory_space<hbm>>
          %dma_wait3A_471 = tpu.memref_squeeze %dma_wait3A_470 : memref<8x1x1024xf32, #tpu.memory_space<hbm>> -> memref<8x1024xf32, #tpu.memory_space<hbm>>
          tpu.wait_dma2 semaphore(%dma_wait3A_468 : memref<!tpu.dma_semaphore, #tpu.memory_space<semaphore_mem>>) src(%arg11 : memref<8x1024xf32, #tpu.memory_space<vmem>>) dst(%dma_wait3A_471 : memref<8x1024xf32, #tpu.memory_space<hbm>>)
        } else {
        }
        %mul3A_418 = arith.constant 8 : i32
        %mul3A_419 = arith.muli %add3A_160, %mul3A_418 : i32
        %add3A_420 = arith.addi %mul3A_2, %mul3A_419 : i32
        %dma_start3A_421 = arith.constant 0 : i32
        %dma_start3A_422 = arith.constant 2 : i32
        %dma_start3A_423 = arith.constant 0 : i32
        %dma_start3A_424 = tpu.memref_slice %arg2[%add3A_420, %dma_start3A_421, %dma_start3A_423] : memref<8192x2x1024xf32, #tpu.memory_space<hbm>> -> memref<8x1x1024xf32, #tpu.memory_space<hbm>>
        %dma_start3A_425 = tpu.memref_squeeze %dma_start3A_424 : memref<8x1x1024xf32, #tpu.memory_space<hbm>> -> memref<8x1024xf32, #tpu.memory_space<hbm>>
        %dma_start3A_426 = tpu.memref_slice %arg17[%dma_start3A_422] : memref<4x!tpu.dma_semaphore, #tpu.memory_space<semaphore_mem>> -> memref<1x!tpu.dma_semaphore, #tpu.memory_space<semaphore_mem>>
        %dma_start3A_427 = tpu.memref_squeeze %dma_start3A_426 : memref<1x!tpu.dma_semaphore, #tpu.memory_space<semaphore_mem>> -> memref<!tpu.dma_semaphore, #tpu.memory_space<semaphore_mem>>
        %dma_start3A_428 = arith.constant 0 : i32
        %dma_start3A_429 = tpu.memref_slice %arg2[%add3A_420, %dma_start3A_421, %dma_start3A_428] : memref<8192x2x1024xf32, #tpu.memory_space<hbm>> -> memref<8x1x1024xf32, #tpu.memory_space<hbm>>
        %dma_start3A_430 = tpu.memref_squeeze %dma_start3A_429 : memref<8x1x1024xf32, #tpu.memory_space<hbm>> -> memref<8x1024xf32, #tpu.memory_space<hbm>>
        tpu.enqueue_dma source(%dma_start3A_430 : memref<8x1024xf32, #tpu.memory_space<hbm>>) target(%arg7 : memref<8x1024xf32, #tpu.memory_space<vmem>>) target_semaphore(%dma_start3A_427 : memref<!tpu.dma_semaphore, #tpu.memory_space<semaphore_mem>>)
        %dma_start3A_431 = arith.constant 1 : i32
        %dma_start3A_432 = arith.constant 2 : i32
        %dma_start3A_433 = arith.constant 0 : i32
        %dma_start3A_434 = tpu.memref_slice %arg2[%add3A_420, %dma_start3A_431, %dma_start3A_433] : memref<8192x2x1024xf32, #tpu.memory_space<hbm>> -> memref<8x1x1024xf32, #tpu.memory_space<hbm>>
        %dma_start3A_435 = tpu.memref_squeeze %dma_start3A_434 : memref<8x1x1024xf32, #tpu.memory_space<hbm>> -> memref<8x1024xf32, #tpu.memory_space<hbm>>
        %dma_start3A_436 = tpu.memref_slice %arg18[%dma_start3A_432] : memref<4x!tpu.dma_semaphore, #tpu.memory_space<semaphore_mem>> -> memref<1x!tpu.dma_semaphore, #tpu.memory_space<semaphore_mem>>
        %dma_start3A_437 = tpu.memref_squeeze %dma_start3A_436 : memref<1x!tpu.dma_semaphore, #tpu.memory_space<semaphore_mem>> -> memref<!tpu.dma_semaphore, #tpu.memory_space<semaphore_mem>>
        %dma_start3A_438 = arith.constant 0 : i32
        %dma_start3A_439 = tpu.memref_slice %arg2[%add3A_420, %dma_start3A_431, %dma_start3A_438] : memref<8192x2x1024xf32, #tpu.memory_space<hbm>> -> memref<8x1x1024xf32, #tpu.memory_space<hbm>>
        %dma_start3A_440 = tpu.memref_squeeze %dma_start3A_439 : memref<8x1x1024xf32, #tpu.memory_space<hbm>> -> memref<8x1024xf32, #tpu.memory_space<hbm>>
        tpu.enqueue_dma source(%dma_start3A_440 : memref<8x1024xf32, #tpu.memory_space<hbm>>) target(%arg11 : memref<8x1024xf32, #tpu.memory_space<vmem>>) target_semaphore(%dma_start3A_437 : memref<!tpu.dma_semaphore, #tpu.memory_space<semaphore_mem>>)
        %dma_start3A_441 = arith.constant 2 : i32
        %dma_start3A_442 = arith.constant 0 : i32
        %dma_start3A_443 = tpu.memref_slice %arg3[%add3A_420, %dma_start3A_442] : memref<8192x1024xf32, #tpu.memory_space<hbm>> -> memref<8x1024xf32, #tpu.memory_space<hbm>>
        %dma_start3A_444 = tpu.memref_slice %arg19[%dma_start3A_441] : memref<4x!tpu.dma_semaphore, #tpu.memory_space<semaphore_mem>> -> memref<1x!tpu.dma_semaphore, #tpu.memory_space<semaphore_mem>>
        %dma_start3A_445 = tpu.memref_squeeze %dma_start3A_444 : memref<1x!tpu.dma_semaphore, #tpu.memory_space<semaphore_mem>> -> memref<!tpu.dma_semaphore, #tpu.memory_space<semaphore_mem>>
        %dma_start3A_446 = arith.constant 0 : i32
        %dma_start3A_447 = tpu.memref_slice %arg3[%add3A_420, %dma_start3A_446] : memref<8192x1024xf32, #tpu.memory_space<hbm>> -> memref<8x1024xf32, #tpu.memory_space<hbm>>
        tpu.enqueue_dma source(%dma_start3A_447 : memref<8x1024xf32, #tpu.memory_space<hbm>>) target(%arg15 : memref<8x1024xf32, #tpu.memory_space<vmem>>) target_semaphore(%dma_start3A_445 : memref<!tpu.dma_semaphore, #tpu.memory_space<semaphore_mem>>)
      } else {
      }
      %mul3A_163 = arith.constant 8 : i32
      %mul3A_164 = arith.muli %add3A_158, %mul3A_163 : i32
      %add3A_165 = arith.addi %mul3A_2, %mul3A_164 : i32
      %dma_wait3A_166 = arith.constant 0 : i32
      %dma_wait3A_167 = arith.constant 0 : i32
      %dma_wait3A_168 = arith.constant 0 : i32
      %dma_wait3A_169 = tpu.memref_slice %arg2[%add3A_165, %dma_wait3A_166, %dma_wait3A_168] : memref<8192x2x1024xf32, #tpu.memory_space<hbm>> -> memref<8x1x1024xf32, #tpu.memory_space<hbm>>
      %dma_wait3A_170 = tpu.memref_squeeze %dma_wait3A_169 : memref<8x1x1024xf32, #tpu.memory_space<hbm>> -> memref<8x1024xf32, #tpu.memory_space<hbm>>
      %dma_wait3A_171 = tpu.memref_slice %arg17[%dma_wait3A_167] : memref<4x!tpu.dma_semaphore, #tpu.memory_space<semaphore_mem>> -> memref<1x!tpu.dma_semaphore, #tpu.memory_space<semaphore_mem>>
      %dma_wait3A_172 = tpu.memref_squeeze %dma_wait3A_171 : memref<1x!tpu.dma_semaphore, #tpu.memory_space<semaphore_mem>> -> memref<!tpu.dma_semaphore, #tpu.memory_space<semaphore_mem>>
      %dma_wait3A_173 = arith.constant 0 : i32
      %dma_wait3A_174 = tpu.memref_slice %arg2[%add3A_165, %dma_wait3A_166, %dma_wait3A_173] : memref<8192x2x1024xf32, #tpu.memory_space<hbm>> -> memref<8x1x1024xf32, #tpu.memory_space<hbm>>
      %dma_wait3A_175 = tpu.memref_squeeze %dma_wait3A_174 : memref<8x1x1024xf32, #tpu.memory_space<hbm>> -> memref<8x1024xf32, #tpu.memory_space<hbm>>
      tpu.wait_dma2 semaphore(%dma_wait3A_172 : memref<!tpu.dma_semaphore, #tpu.memory_space<semaphore_mem>>) src(%dma_wait3A_175 : memref<8x1024xf32, #tpu.memory_space<hbm>>) dst(%arg5 : memref<8x1024xf32, #tpu.memory_space<vmem>>)
      %dma_wait3A_176 = arith.constant 1 : i32
      %dma_wait3A_177 = arith.constant 0 : i32
      %dma_wait3A_178 = arith.constant 0 : i32
      %dma_wait3A_179 = tpu.memref_slice %arg2[%add3A_165, %dma_wait3A_176, %dma_wait3A_178] : memref<8192x2x1024xf32, #tpu.memory_space<hbm>> -> memref<8x1x1024xf32, #tpu.memory_space<hbm>>
      %dma_wait3A_180 = tpu.memref_squeeze %dma_wait3A_179 : memref<8x1x1024xf32, #tpu.memory_space<hbm>> -> memref<8x1024xf32, #tpu.memory_space<hbm>>
      %dma_wait3A_181 = tpu.memref_slice %arg18[%dma_wait3A_177] : memref<4x!tpu.dma_semaphore, #tpu.memory_space<semaphore_mem>> -> memref<1x!tpu.dma_semaphore, #tpu.memory_space<semaphore_mem>>
      %dma_wait3A_182 = tpu.memref_squeeze %dma_wait3A_181 : memref<1x!tpu.dma_semaphore, #tpu.memory_space<semaphore_mem>> -> memref<!tpu.dma_semaphore, #tpu.memory_space<semaphore_mem>>
      %dma_wait3A_183 = arith.constant 0 : i32
      %dma_wait3A_184 = tpu.memref_slice %arg2[%add3A_165, %dma_wait3A_176, %dma_wait3A_183] : memref<8192x2x1024xf32, #tpu.memory_space<hbm>> -> memref<8x1x1024xf32, #tpu.memory_space<hbm>>
      %dma_wait3A_185 = tpu.memref_squeeze %dma_wait3A_184 : memref<8x1x1024xf32, #tpu.memory_space<hbm>> -> memref<8x1024xf32, #tpu.memory_space<hbm>>
      tpu.wait_dma2 semaphore(%dma_wait3A_182 : memref<!tpu.dma_semaphore, #tpu.memory_space<semaphore_mem>>) src(%dma_wait3A_185 : memref<8x1024xf32, #tpu.memory_space<hbm>>) dst(%arg9 : memref<8x1024xf32, #tpu.memory_space<vmem>>)
      %dma_wait3A_186 = arith.constant 0 : i32
      %dma_wait3A_187 = arith.constant 0 : i32
      %dma_wait3A_188 = tpu.memref_slice %arg3[%add3A_165, %dma_wait3A_187] : memref<8192x1024xf32, #tpu.memory_space<hbm>> -> memref<8x1024xf32, #tpu.memory_space<hbm>>
      %dma_wait3A_189 = tpu.memref_slice %arg19[%dma_wait3A_186] : memref<4x!tpu.dma_semaphore, #tpu.memory_space<semaphore_mem>> -> memref<1x!tpu.dma_semaphore, #tpu.memory_space<semaphore_mem>>
      %dma_wait3A_190 = tpu.memref_squeeze %dma_wait3A_189 : memref<1x!tpu.dma_semaphore, #tpu.memory_space<semaphore_mem>> -> memref<!tpu.dma_semaphore, #tpu.memory_space<semaphore_mem>>
      %dma_wait3A_191 = arith.constant 0 : i32
      %dma_wait3A_192 = tpu.memref_slice %arg3[%add3A_165, %dma_wait3A_191] : memref<8192x1024xf32, #tpu.memory_space<hbm>> -> memref<8x1024xf32, #tpu.memory_space<hbm>>
      tpu.wait_dma2 semaphore(%dma_wait3A_190 : memref<!tpu.dma_semaphore, #tpu.memory_space<semaphore_mem>>) src(%dma_wait3A_192 : memref<8x1024xf32, #tpu.memory_space<hbm>>) dst(%arg13 : memref<8x1024xf32, #tpu.memory_space<vmem>>)
      %parallel_loop3A = arith.constant 0 : i32
      %parallel_loop3A_193 = arith.constant 512 : i32
      %parallel_loop3A_194 = arith.constant 1 : i32
      scf.for %parallel_loop3A_414 = %parallel_loop3A to %parallel_loop3A_193 step %parallel_loop3A_194  : i32 {
        %parallel_loop3A_415 = arith.constant 64 : i32
        %parallel_loop3A_416 = arith.divsi %parallel_loop3A_414, %parallel_loop3A_415 : i32
        %parallel_loop3A_417 = arith.constant 0 : i32
        %parallel_loop3A_418 = arith.cmpi sgt, %parallel_loop3A_414, %parallel_loop3A_417 : i32
        %parallel_loop3A_419 = arith.extui %parallel_loop3A_418 : i1 to i32
        %parallel_loop3A_420 = arith.constant 0 : i32
        %parallel_loop3A_421 = arith.cmpi slt, %parallel_loop3A_414, %parallel_loop3A_420 : i32
        %parallel_loop3A_422 = arith.extui %parallel_loop3A_421 : i1 to i32
        %parallel_loop3A_423 = arith.subi %parallel_loop3A_419, %parallel_loop3A_422 : i32
        %parallel_loop3A_424 = arith.constant 0 : i32
        %parallel_loop3A_425 = arith.cmpi sgt, %parallel_loop3A_415, %parallel_loop3A_424 : i32
        %parallel_loop3A_426 = arith.extui %parallel_loop3A_425 : i1 to i32
        %parallel_loop3A_427 = arith.constant 0 : i32
        %parallel_loop3A_428 = arith.cmpi slt, %parallel_loop3A_415, %parallel_loop3A_427 : i32
        %parallel_loop3A_429 = arith.extui %parallel_loop3A_428 : i1 to i32
        %parallel_loop3A_430 = arith.subi %parallel_loop3A_426, %parallel_loop3A_429 : i32
        %parallel_loop3A_431 = arith.cmpi ne, %parallel_loop3A_423, %parallel_loop3A_430 : i32
        %parallel_loop3A_432 = arith.remsi %parallel_loop3A_414, %parallel_loop3A_415 : i32
        %parallel_loop3A_433 = arith.constant 0 : i32
        %parallel_loop3A_434 = arith.cmpi ne, %parallel_loop3A_432, %parallel_loop3A_433 : i32
        %parallel_loop3A_435 = arith.andi %parallel_loop3A_431, %parallel_loop3A_434 : i1
        %parallel_loop3A_436 = arith.constant 1 : i32
        %parallel_loop3A_437 = arith.subi %parallel_loop3A_416, %parallel_loop3A_436 : i32
        %parallel_loop3A_438 = arith.select %parallel_loop3A_435, %parallel_loop3A_437, %parallel_loop3A_416 : i32
        %parallel_loop3A_439 = arith.constant 64 : i32
        %parallel_loop3A_440 = arith.constant 0 : i32
        %parallel_loop3A_441 = arith.cmpi eq, %parallel_loop3A_439, %parallel_loop3A_440 : i32
        %parallel_loop3A_442 = arith.constant 1 : i32
        %parallel_loop3A_443 = arith.select %parallel_loop3A_441, %parallel_loop3A_442, %parallel_loop3A_439 : i32
        %parallel_loop3A_444 = arith.remsi %parallel_loop3A_414, %parallel_loop3A_443 : i32
        %parallel_loop3A_445 = arith.constant 0 : i32
        %parallel_loop3A_446 = arith.cmpi ne, %parallel_loop3A_444, %parallel_loop3A_445 : i32
        %parallel_loop3A_447 = arith.constant 0 : i32
        %parallel_loop3A_448 = arith.cmpi slt, %parallel_loop3A_444, %parallel_loop3A_447 : i32
        %parallel_loop3A_449 = arith.constant 0 : i32
        %parallel_loop3A_450 = arith.cmpi slt, %parallel_loop3A_443, %parallel_loop3A_449 : i32
        %parallel_loop3A_451 = arith.xori %parallel_loop3A_448, %parallel_loop3A_450 : i1
        %parallel_loop3A_452 = arith.andi %parallel_loop3A_451, %parallel_loop3A_446 : i1
        %parallel_loop3A_453 = arith.addi %parallel_loop3A_444, %parallel_loop3A_443 : i32
        %parallel_loop3A_454 = arith.select %parallel_loop3A_452, %parallel_loop3A_453, %parallel_loop3A_444 : i32
        %parallel_loop3A_455 = arith.constant 16 : i32
        %parallel_loop3A_456 = arith.muli %parallel_loop3A_454, %parallel_loop3A_455 : i32
        %parallel_loop3A_457 = arith.index_cast %parallel_loop3A_438 : i32 to index
        %parallel_loop3A_458 = arith.index_cast %parallel_loop3A_456 : i32 to index
        %parallel_loop3A_459 = tpu.vector_load %arg13[%parallel_loop3A_457, %parallel_loop3A_458] {strides = array<i32>} : memref<8x1024xf32, #tpu.memory_space<vmem>>, vector<1x16xf32>,
        %parallel_loop3A_460 = vector.shape_cast %parallel_loop3A_459 : vector<1x16xf32> to vector<16xf32>
        %parallel_loop3A_461 = arith.index_cast %parallel_loop3A_438 : i32 to index
        %parallel_loop3A_462 = arith.index_cast %parallel_loop3A_456 : i32 to index
        %parallel_loop3A_463 = tpu.vector_load %arg5[%parallel_loop3A_461, %parallel_loop3A_462] {strides = array<i32>} : memref<8x1024xf32, #tpu.memory_space<vmem>>, vector<1x16xf32>,
        %parallel_loop3A_464 = vector.shape_cast %parallel_loop3A_463 : vector<1x16xf32> to vector<16xf32>
        %parallel_loop3A_465 = arith.addf %parallel_loop3A_464, %parallel_loop3A_460 : vector<16xf32>
        %parallel_loop3A_466 = arith.index_cast %parallel_loop3A_438 : i32 to index
        %parallel_loop3A_467 = arith.index_cast %parallel_loop3A_456 : i32 to index
        %parallel_loop3A_468 = tpu.vector_load %arg5[%parallel_loop3A_466, %parallel_loop3A_467] {strides = array<i32>} : memref<8x1024xf32, #tpu.memory_space<vmem>>, vector<1x16xf32>,
        %parallel_loop3A_469 = vector.shape_cast %parallel_loop3A_468 : vector<1x16xf32> to vector<16xf32>
        %parallel_loop3A_470 = vector.shape_cast %parallel_loop3A_465 : vector<16xf32> to vector<1x16xf32>
        tpu.vector_store %arg5[%parallel_loop3A_466, %parallel_loop3A_467], %parallel_loop3A_470 {strides = array<i32>} : memref<8x1024xf32, #tpu.memory_space<vmem>>, vector<1x16xf32>,
        %parallel_loop3A_471 = arith.index_cast %parallel_loop3A_438 : i32 to index
        %parallel_loop3A_472 = arith.index_cast %parallel_loop3A_456 : i32 to index
        %parallel_loop3A_473 = tpu.vector_load %arg9[%parallel_loop3A_471, %parallel_loop3A_472] {strides = array<i32>} : memref<8x1024xf32, #tpu.memory_space<vmem>>, vector<1x16xf32>,
        %parallel_loop3A_474 = vector.shape_cast %parallel_loop3A_473 : vector<1x16xf32> to vector<16xf32>
        %parallel_loop3A_475 = arith.addf %parallel_loop3A_474, %parallel_loop3A_460 : vector<16xf32>
        %parallel_loop3A_476 = arith.index_cast %parallel_loop3A_438 : i32 to index
        %parallel_loop3A_477 = arith.index_cast %parallel_loop3A_456 : i32 to index
        %parallel_loop3A_478 = tpu.vector_load %arg9[%parallel_loop3A_476, %parallel_loop3A_477] {strides = array<i32>} : memref<8x1024xf32, #tpu.memory_space<vmem>>, vector<1x16xf32>,
        %parallel_loop3A_479 = vector.shape_cast %parallel_loop3A_478 : vector<1x16xf32> to vector<16xf32>
        %parallel_loop3A_480 = vector.shape_cast %parallel_loop3A_475 : vector<16xf32> to vector<1x16xf32>
        tpu.vector_store %arg9[%parallel_loop3A_476, %parallel_loop3A_477], %parallel_loop3A_480 {strides = array<i32>} : memref<8x1024xf32, #tpu.memory_space<vmem>>, vector<1x16xf32>,
      } {sc.loop_unroll_factor = 2 : i64, sc.parallel_access}
      %mul3A_195 = arith.constant 8 : i32
      %mul3A_196 = arith.muli %add3A_158, %mul3A_195 : i32
      %add3A_197 = arith.addi %mul3A_2, %mul3A_196 : i32
      %dma_start3A_198 = arith.constant 0 : i32
      %dma_start3A_199 = arith.constant 0 : i32
      %dma_start3A_200 = arith.constant 0 : i32
      %dma_start3A_201 = tpu.memref_slice %arg4[%add3A_197, %dma_start3A_198, %dma_start3A_200] : memref<8192x2x1024xf32, #tpu.memory_space<hbm>> -> memref<8x1x1024xf32, #tpu.memory_space<hbm>>
      %dma_start3A_202 = tpu.memref_squeeze %dma_start3A_201 : memref<8x1x1024xf32, #tpu.memory_space<hbm>> -> memref<8x1024xf32, #tpu.memory_space<hbm>>
      %dma_start3A_203 = tpu.memref_slice %arg20[%dma_start3A_199] : memref<4x!tpu.dma_semaphore, #tpu.memory_space<semaphore_mem>> -> memref<1x!tpu.dma_semaphore, #tpu.memory_space<semaphore_mem>>
      %dma_start3A_204 = tpu.memref_squeeze %dma_start3A_203 : memref<1x!tpu.dma_semaphore, #tpu.memory_space<semaphore_mem>> -> memref<!tpu.dma_semaphore, #tpu.memory_space<semaphore_mem>>
      %dma_start3A_205 = arith.constant 0 : i32
      %dma_start3A_206 = tpu.memref_slice %arg4[%add3A_197, %dma_start3A_198, %dma_start3A_205] : memref<8192x2x1024xf32, #tpu.memory_space<hbm>> -> memref<8x1x1024xf32, #tpu.memory_space<hbm>>
      %dma_start3A_207 = tpu.memref_squeeze %dma_start3A_206 : memref<8x1x1024xf32, #tpu.memory_space<hbm>> -> memref<8x1024xf32, #tpu.memory_space<hbm>>
      tpu.enqueue_dma source(%arg5 : memref<8x1024xf32, #tpu.memory_space<vmem>>) target(%dma_start3A_207 : memref<8x1024xf32, #tpu.memory_space<hbm>>) target_semaphore(%dma_start3A_204 : memref<!tpu.dma_semaphore, #tpu.memory_space<semaphore_mem>>)
      %dma_start3A_208 = arith.constant 1 : i32
      %dma_start3A_209 = arith.constant 0 : i32
      %dma_start3A_210 = arith.constant 0 : i32
      %dma_start3A_211 = tpu.memref_slice %arg4[%add3A_197, %dma_start3A_208, %dma_start3A_210] : memref<8192x2x1024xf32, #tpu.memory_space<hbm>> -> memref<8x1x1024xf32, #tpu.memory_space<hbm>>
      %dma_start3A_212 = tpu.memref_squeeze %dma_start3A_211 : memref<8x1x1024xf32, #tpu.memory_space<hbm>> -> memref<8x1024xf32, #tpu.memory_space<hbm>>
      %dma_start3A_213 = tpu.memref_slice %arg21[%dma_start3A_209] : memref<4x!tpu.dma_semaphore, #tpu.memory_space<semaphore_mem>> -> memref<1x!tpu.dma_semaphore, #tpu.memory_space<semaphore_mem>>
      %dma_start3A_214 = tpu.memref_squeeze %dma_start3A_213 : memref<1x!tpu.dma_semaphore, #tpu.memory_space<semaphore_mem>> -> memref<!tpu.dma_semaphore, #tpu.memory_space<semaphore_mem>>
      %dma_start3A_215 = arith.constant 0 : i32
      %dma_start3A_216 = tpu.memref_slice %arg4[%add3A_197, %dma_start3A_208, %dma_start3A_215] : memref<8192x2x1024xf32, #tpu.memory_space<hbm>> -> memref<8x1x1024xf32, #tpu.memory_space<hbm>>
      %dma_start3A_217 = tpu.memref_squeeze %dma_start3A_216 : memref<8x1x1024xf32, #tpu.memory_space<hbm>> -> memref<8x1024xf32, #tpu.memory_space<hbm>>
      tpu.enqueue_dma source(%arg9 : memref<8x1024xf32, #tpu.memory_space<vmem>>) target(%dma_start3A_217 : memref<8x1024xf32, #tpu.memory_space<hbm>>) target_semaphore(%dma_start3A_214 : memref<!tpu.dma_semaphore, #tpu.memory_space<semaphore_mem>>)
      %add3A_218 = arith.constant 1 : i32
      %add3A_219 = arith.addi %mul3A_156, %add3A_218 : i32
      %add3A_220 = arith.constant 2 : i32
      %add3A_221 = arith.addi %add3A_219, %add3A_220 : i32
      %lt3A_222 = arith.constant 32 : i32
      %lt3A_223 = arith.cmpi slt, %add3A_221, %lt3A_222 : i32
      %convert_element_type3A_224 = arith.extui %lt3A_223 : i1 to i32
      %cond3A_225 = arith.constant 0 : i32
      %cond3A_226 = arith.cmpi ne, %convert_element_type3A_224, %cond3A_225 : i32
      scf.if %cond3A_226 {
        %ge3A = arith.constant 4 : i32
        %ge3A_414 = arith.cmpi sge, %add3A_221, %ge3A : i32
        %convert_element_type3A_415 = arith.extui %ge3A_414 : i1 to i32
        %cond3A_416 = arith.constant 0 : i32
        %cond3A_417 = arith.cmpi ne, %convert_element_type3A_415, %cond3A_416 : i32
        scf.if %cond3A_417 {
          %sub3A = arith.constant 4 : i32
          %sub3A_448 = arith.subi %add3A_221, %sub3A : i32
          %mul3A_449 = arith.constant 8 : i32
          %mul3A_450 = arith.muli %sub3A_448, %mul3A_449 : i32
          %add3A_451 = arith.addi %mul3A_2, %mul3A_450 : i32
          %dma_wait3A_452 = arith.constant 0 : i32
          %dma_wait3A_453 = arith.constant 3 : i32
          %dma_wait3A_454 = arith.constant 0 : i32
          %dma_wait3A_455 = tpu.memref_slice %arg4[%add3A_451, %dma_wait3A_452, %dma_wait3A_454] : memref<8192x2x1024xf32, #tpu.memory_space<hbm>> -> memref<8x1x1024xf32, #tpu.memory_space<hbm>>
          %dma_wait3A_456 = tpu.memref_squeeze %dma_wait3A_455 : memref<8x1x1024xf32, #tpu.memory_space<hbm>> -> memref<8x1024xf32, #tpu.memory_space<hbm>>
          %dma_wait3A_457 = tpu.memref_slice %arg20[%dma_wait3A_453] : memref<4x!tpu.dma_semaphore, #tpu.memory_space<semaphore_mem>> -> memref<1x!tpu.dma_semaphore, #tpu.memory_space<semaphore_mem>>
          %dma_wait3A_458 = tpu.memref_squeeze %dma_wait3A_457 : memref<1x!tpu.dma_semaphore, #tpu.memory_space<semaphore_mem>> -> memref<!tpu.dma_semaphore, #tpu.memory_space<semaphore_mem>>
          %dma_wait3A_459 = arith.constant 0 : i32
          %dma_wait3A_460 = tpu.memref_slice %arg4[%add3A_451, %dma_wait3A_452, %dma_wait3A_459] : memref<8192x2x1024xf32, #tpu.memory_space<hbm>> -> memref<8x1x1024xf32, #tpu.memory_space<hbm>>
          %dma_wait3A_461 = tpu.memref_squeeze %dma_wait3A_460 : memref<8x1x1024xf32, #tpu.memory_space<hbm>> -> memref<8x1024xf32, #tpu.memory_space<hbm>>
          tpu.wait_dma2 semaphore(%dma_wait3A_458 : memref<!tpu.dma_semaphore, #tpu.memory_space<semaphore_mem>>) src(%arg8 : memref<8x1024xf32, #tpu.memory_space<vmem>>) dst(%dma_wait3A_461 : memref<8x1024xf32, #tpu.memory_space<hbm>>)
          %dma_wait3A_462 = arith.constant 1 : i32
          %dma_wait3A_463 = arith.constant 3 : i32
          %dma_wait3A_464 = arith.constant 0 : i32
          %dma_wait3A_465 = tpu.memref_slice %arg4[%add3A_451, %dma_wait3A_462, %dma_wait3A_464] : memref<8192x2x1024xf32, #tpu.memory_space<hbm>> -> memref<8x1x1024xf32, #tpu.memory_space<hbm>>
          %dma_wait3A_466 = tpu.memref_squeeze %dma_wait3A_465 : memref<8x1x1024xf32, #tpu.memory_space<hbm>> -> memref<8x1024xf32, #tpu.memory_space<hbm>>
          %dma_wait3A_467 = tpu.memref_slice %arg21[%dma_wait3A_463] : memref<4x!tpu.dma_semaphore, #tpu.memory_space<semaphore_mem>> -> memref<1x!tpu.dma_semaphore, #tpu.memory_space<semaphore_mem>>
          %dma_wait3A_468 = tpu.memref_squeeze %dma_wait3A_467 : memref<1x!tpu.dma_semaphore, #tpu.memory_space<semaphore_mem>> -> memref<!tpu.dma_semaphore, #tpu.memory_space<semaphore_mem>>
          %dma_wait3A_469 = arith.constant 0 : i32
          %dma_wait3A_470 = tpu.memref_slice %arg4[%add3A_451, %dma_wait3A_462, %dma_wait3A_469] : memref<8192x2x1024xf32, #tpu.memory_space<hbm>> -> memref<8x1x1024xf32, #tpu.memory_space<hbm>>
          %dma_wait3A_471 = tpu.memref_squeeze %dma_wait3A_470 : memref<8x1x1024xf32, #tpu.memory_space<hbm>> -> memref<8x1024xf32, #tpu.memory_space<hbm>>
          tpu.wait_dma2 semaphore(%dma_wait3A_468 : memref<!tpu.dma_semaphore, #tpu.memory_space<semaphore_mem>>) src(%arg12 : memref<8x1024xf32, #tpu.memory_space<vmem>>) dst(%dma_wait3A_471 : memref<8x1024xf32, #tpu.memory_space<hbm>>)
        } else {
        }
        %mul3A_418 = arith.constant 8 : i32
        %mul3A_419 = arith.muli %add3A_221, %mul3A_418 : i32
        %add3A_420 = arith.addi %mul3A_2, %mul3A_419 : i32
        %dma_start3A_421 = arith.constant 0 : i32
        %dma_start3A_422 = arith.constant 3 : i32
        %dma_start3A_423 = arith.constant 0 : i32
        %dma_start3A_424 = tpu.memref_slice %arg2[%add3A_420, %dma_start3A_421, %dma_start3A_423] : memref<8192x2x1024xf32, #tpu.memory_space<hbm>> -> memref<8x1x1024xf32, #tpu.memory_space<hbm>>
        %dma_start3A_425 = tpu.memref_squeeze %dma_start3A_424 : memref<8x1x1024xf32, #tpu.memory_space<hbm>> -> memref<8x1024xf32, #tpu.memory_space<hbm>>
        %dma_start3A_426 = tpu.memref_slice %arg17[%dma_start3A_422] : memref<4x!tpu.dma_semaphore, #tpu.memory_space<semaphore_mem>> -> memref<1x!tpu.dma_semaphore, #tpu.memory_space<semaphore_mem>>
        %dma_start3A_427 = tpu.memref_squeeze %dma_start3A_426 : memref<1x!tpu.dma_semaphore, #tpu.memory_space<semaphore_mem>> -> memref<!tpu.dma_semaphore, #tpu.memory_space<semaphore_mem>>
        %dma_start3A_428 = arith.constant 0 : i32
        %dma_start3A_429 = tpu.memref_slice %arg2[%add3A_420, %dma_start3A_421, %dma_start3A_428] : memref<8192x2x1024xf32, #tpu.memory_space<hbm>> -> memref<8x1x1024xf32, #tpu.memory_space<hbm>>
        %dma_start3A_430 = tpu.memref_squeeze %dma_start3A_429 : memref<8x1x1024xf32, #tpu.memory_space<hbm>> -> memref<8x1024xf32, #tpu.memory_space<hbm>>
        tpu.enqueue_dma source(%dma_start3A_430 : memref<8x1024xf32, #tpu.memory_space<hbm>>) target(%arg8 : memref<8x1024xf32, #tpu.memory_space<vmem>>) target_semaphore(%dma_start3A_427 : memref<!tpu.dma_semaphore, #tpu.memory_space<semaphore_mem>>)
        %dma_start3A_431 = arith.constant 1 : i32
        %dma_start3A_432 = arith.constant 3 : i32
        %dma_start3A_433 = arith.constant 0 : i32
        %dma_start3A_434 = tpu.memref_slice %arg2[%add3A_420, %dma_start3A_431, %dma_start3A_433] : memref<8192x2x1024xf32, #tpu.memory_space<hbm>> -> memref<8x1x1024xf32, #tpu.memory_space<hbm>>
        %dma_start3A_435 = tpu.memref_squeeze %dma_start3A_434 : memref<8x1x1024xf32, #tpu.memory_space<hbm>> -> memref<8x1024xf32, #tpu.memory_space<hbm>>
        %dma_start3A_436 = tpu.memref_slice %arg18[%dma_start3A_432] : memref<4x!tpu.dma_semaphore, #tpu.memory_space<semaphore_mem>> -> memref<1x!tpu.dma_semaphore, #tpu.memory_space<semaphore_mem>>
        %dma_start3A_437 = tpu.memref_squeeze %dma_start3A_436 : memref<1x!tpu.dma_semaphore, #tpu.memory_space<semaphore_mem>> -> memref<!tpu.dma_semaphore, #tpu.memory_space<semaphore_mem>>
        %dma_start3A_438 = arith.constant 0 : i32
        %dma_start3A_439 = tpu.memref_slice %arg2[%add3A_420, %dma_start3A_431, %dma_start3A_438] : memref<8192x2x1024xf32, #tpu.memory_space<hbm>> -> memref<8x1x1024xf32, #tpu.memory_space<hbm>>
        %dma_start3A_440 = tpu.memref_squeeze %dma_start3A_439 : memref<8x1x1024xf32, #tpu.memory_space<hbm>> -> memref<8x1024xf32, #tpu.memory_space<hbm>>
        tpu.enqueue_dma source(%dma_start3A_440 : memref<8x1024xf32, #tpu.memory_space<hbm>>) target(%arg12 : memref<8x1024xf32, #tpu.memory_space<vmem>>) target_semaphore(%dma_start3A_437 : memref<!tpu.dma_semaphore, #tpu.memory_space<semaphore_mem>>)
        %dma_start3A_441 = arith.constant 3 : i32
        %dma_start3A_442 = arith.constant 0 : i32
        %dma_start3A_443 = tpu.memref_slice %arg3[%add3A_420, %dma_start3A_442] : memref<8192x1024xf32, #tpu.memory_space<hbm>> -> memref<8x1024xf32, #tpu.memory_space<hbm>>
        %dma_start3A_444 = tpu.memref_slice %arg19[%dma_start3A_441] : memref<4x!tpu.dma_semaphore, #tpu.memory_space<semaphore_mem>> -> memref<1x!tpu.dma_semaphore, #tpu.memory_space<semaphore_mem>>
        %dma_start3A_445 = tpu.memref_squeeze %dma_start3A_444 : memref<1x!tpu.dma_semaphore, #tpu.memory_space<semaphore_mem>> -> memref<!tpu.dma_semaphore, #tpu.memory_space<semaphore_mem>>
        %dma_start3A_446 = arith.constant 0 : i32
        %dma_start3A_447 = tpu.memref_slice %arg3[%add3A_420, %dma_start3A_446] : memref<8192x1024xf32, #tpu.memory_space<hbm>> -> memref<8x1024xf32, #tpu.memory_space<hbm>>
        tpu.enqueue_dma source(%dma_start3A_447 : memref<8x1024xf32, #tpu.memory_space<hbm>>) target(%arg16 : memref<8x1024xf32, #tpu.memory_space<vmem>>) target_semaphore(%dma_start3A_445 : memref<!tpu.dma_semaphore, #tpu.memory_space<semaphore_mem>>)
      } else {
      }
      %mul3A_227 = arith.constant 8 : i32
      %mul3A_228 = arith.muli %add3A_219, %mul3A_227 : i32
      %add3A_229 = arith.addi %mul3A_2, %mul3A_228 : i32
      %dma_wait3A_230 = arith.constant 0 : i32
      %dma_wait3A_231 = arith.constant 1 : i32
      %dma_wait3A_232 = arith.constant 0 : i32
      %dma_wait3A_233 = tpu.memref_slice %arg2[%add3A_229, %dma_wait3A_230, %dma_wait3A_232] : memref<8192x2x1024xf32, #tpu.memory_space<hbm>> -> memref<8x1x1024xf32, #tpu.memory_space<hbm>>
      %dma_wait3A_234 = tpu.memref_squeeze %dma_wait3A_233 : memref<8x1x1024xf32, #tpu.memory_space<hbm>> -> memref<8x1024xf32, #tpu.memory_space<hbm>>
      %dma_wait3A_235 = tpu.memref_slice %arg17[%dma_wait3A_231] : memref<4x!tpu.dma_semaphore, #tpu.memory_space<semaphore_mem>> -> memref<1x!tpu.dma_semaphore, #tpu.memory_space<semaphore_mem>>
      %dma_wait3A_236 = tpu.memref_squeeze %dma_wait3A_235 : memref<1x!tpu.dma_semaphore, #tpu.memory_space<semaphore_mem>> -> memref<!tpu.dma_semaphore, #tpu.memory_space<semaphore_mem>>
      %dma_wait3A_237 = arith.constant 0 : i32
      %dma_wait3A_238 = tpu.memref_slice %arg2[%add3A_229, %dma_wait3A_230, %dma_wait3A_237] : memref<8192x2x1024xf32, #tpu.memory_space<hbm>> -> memref<8x1x1024xf32, #tpu.memory_space<hbm>>
      %dma_wait3A_239 = tpu.memref_squeeze %dma_wait3A_238 : memref<8x1x1024xf32, #tpu.memory_space<hbm>> -> memref<8x1024xf32, #tpu.memory_space<hbm>>
      tpu.wait_dma2 semaphore(%dma_wait3A_236 : memref<!tpu.dma_semaphore, #tpu.memory_space<semaphore_mem>>) src(%dma_wait3A_239 : memref<8x1024xf32, #tpu.memory_space<hbm>>) dst(%arg6 : memref<8x1024xf32, #tpu.memory_space<vmem>>)
      %dma_wait3A_240 = arith.constant 1 : i32
      %dma_wait3A_241 = arith.constant 1 : i32
      %dma_wait3A_242 = arith.constant 0 : i32
      %dma_wait3A_243 = tpu.memref_slice %arg2[%add3A_229, %dma_wait3A_240, %dma_wait3A_242] : memref<8192x2x1024xf32, #tpu.memory_space<hbm>> -> memref<8x1x1024xf32, #tpu.memory_space<hbm>>
      %dma_wait3A_244 = tpu.memref_squeeze %dma_wait3A_243 : memref<8x1x1024xf32, #tpu.memory_space<hbm>> -> memref<8x1024xf32, #tpu.memory_space<hbm>>
      %dma_wait3A_245 = tpu.memref_slice %arg18[%dma_wait3A_241] : memref<4x!tpu.dma_semaphore, #tpu.memory_space<semaphore_mem>> -> memref<1x!tpu.dma_semaphore, #tpu.memory_space<semaphore_mem>>
      %dma_wait3A_246 = tpu.memref_squeeze %dma_wait3A_245 : memref<1x!tpu.dma_semaphore, #tpu.memory_space<semaphore_mem>> -> memref<!tpu.dma_semaphore, #tpu.memory_space<semaphore_mem>>
      %dma_wait3A_247 = arith.constant 0 : i32
      %dma_wait3A_248 = tpu.memref_slice %arg2[%add3A_229, %dma_wait3A_240, %dma_wait3A_247] : memref<8192x2x1024xf32, #tpu.memory_space<hbm>> -> memref<8x1x1024xf32, #tpu.memory_space<hbm>>
      %dma_wait3A_249 = tpu.memref_squeeze %dma_wait3A_248 : memref<8x1x1024xf32, #tpu.memory_space<hbm>> -> memref<8x1024xf32, #tpu.memory_space<hbm>>
      tpu.wait_dma2 semaphore(%dma_wait3A_246 : memref<!tpu.dma_semaphore, #tpu.memory_space<semaphore_mem>>) src(%dma_wait3A_249 : memref<8x1024xf32, #tpu.memory_space<hbm>>) dst(%arg10 : memref<8x1024xf32, #tpu.memory_space<vmem>>)
      %dma_wait3A_250 = arith.constant 1 : i32
      %dma_wait3A_251 = arith.constant 0 : i32
      %dma_wait3A_252 = tpu.memref_slice %arg3[%add3A_229, %dma_wait3A_251] : memref<8192x1024xf32, #tpu.memory_space<hbm>> -> memref<8x1024xf32, #tpu.memory_space<hbm>>
      %dma_wait3A_253 = tpu.memref_slice %arg19[%dma_wait3A_250] : memref<4x!tpu.dma_semaphore, #tpu.memory_space<semaphore_mem>> -> memref<1x!tpu.dma_semaphore, #tpu.memory_space<semaphore_mem>>
      %dma_wait3A_254 = tpu.memref_squeeze %dma_wait3A_253 : memref<1x!tpu.dma_semaphore, #tpu.memory_space<semaphore_mem>> -> memref<!tpu.dma_semaphore, #tpu.memory_space<semaphore_mem>>
      %dma_wait3A_255 = arith.constant 0 : i32
      %dma_wait3A_256 = tpu.memref_slice %arg3[%add3A_229, %dma_wait3A_255] : memref<8192x1024xf32, #tpu.memory_space<hbm>> -> memref<8x1024xf32, #tpu.memory_space<hbm>>
      tpu.wait_dma2 semaphore(%dma_wait3A_254 : memref<!tpu.dma_semaphore, #tpu.memory_space<semaphore_mem>>) src(%dma_wait3A_256 : memref<8x1024xf32, #tpu.memory_space<hbm>>) dst(%arg14 : memref<8x1024xf32, #tpu.memory_space<vmem>>)
      %parallel_loop3A_257 = arith.constant 0 : i32
      %parallel_loop3A_258 = arith.constant 512 : i32
      %parallel_loop3A_259 = arith.constant 1 : i32
      scf.for %parallel_loop3A_414 = %parallel_loop3A_257 to %parallel_loop3A_258 step %parallel_loop3A_259  : i32 {
        %parallel_loop3A_415 = arith.constant 64 : i32
        %parallel_loop3A_416 = arith.divsi %parallel_loop3A_414, %parallel_loop3A_415 : i32
        %parallel_loop3A_417 = arith.constant 0 : i32
        %parallel_loop3A_418 = arith.cmpi sgt, %parallel_loop3A_414, %parallel_loop3A_417 : i32
        %parallel_loop3A_419 = arith.extui %parallel_loop3A_418 : i1 to i32
        %parallel_loop3A_420 = arith.constant 0 : i32
        %parallel_loop3A_421 = arith.cmpi slt, %parallel_loop3A_414, %parallel_loop3A_420 : i32
        %parallel_loop3A_422 = arith.extui %parallel_loop3A_421 : i1 to i32
        %parallel_loop3A_423 = arith.subi %parallel_loop3A_419, %parallel_loop3A_422 : i32
        %parallel_loop3A_424 = arith.constant 0 : i32
        %parallel_loop3A_425 = arith.cmpi sgt, %parallel_loop3A_415, %parallel_loop3A_424 : i32
        %parallel_loop3A_426 = arith.extui %parallel_loop3A_425 : i1 to i32
        %parallel_loop3A_427 = arith.constant 0 : i32
        %parallel_loop3A_428 = arith.cmpi slt, %parallel_loop3A_415, %parallel_loop3A_427 : i32
        %parallel_loop3A_429 = arith.extui %parallel_loop3A_428 : i1 to i32
        %parallel_loop3A_430 = arith.subi %parallel_loop3A_426, %parallel_loop3A_429 : i32
        %parallel_loop3A_431 = arith.cmpi ne, %parallel_loop3A_423, %parallel_loop3A_430 : i32
        %parallel_loop3A_432 = arith.remsi %parallel_loop3A_414, %parallel_loop3A_415 : i32
        %parallel_loop3A_433 = arith.constant 0 : i32
        %parallel_loop3A_434 = arith.cmpi ne, %parallel_loop3A_432, %parallel_loop3A_433 : i32
        %parallel_loop3A_435 = arith.andi %parallel_loop3A_431, %parallel_loop3A_434 : i1
        %parallel_loop3A_436 = arith.constant 1 : i32
        %parallel_loop3A_437 = arith.subi %parallel_loop3A_416, %parallel_loop3A_436 : i32
        %parallel_loop3A_438 = arith.select %parallel_loop3A_435, %parallel_loop3A_437, %parallel_loop3A_416 : i32
        %parallel_loop3A_439 = arith.constant 64 : i32
        %parallel_loop3A_440 = arith.constant 0 : i32
        %parallel_loop3A_441 = arith.cmpi eq, %parallel_loop3A_439, %parallel_loop3A_440 : i32
        %parallel_loop3A_442 = arith.constant 1 : i32
        %parallel_loop3A_443 = arith.select %parallel_loop3A_441, %parallel_loop3A_442, %parallel_loop3A_439 : i32
        %parallel_loop3A_444 = arith.remsi %parallel_loop3A_414, %parallel_loop3A_443 : i32
        %parallel_loop3A_445 = arith.constant 0 : i32
        %parallel_loop3A_446 = arith.cmpi ne, %parallel_loop3A_444, %parallel_loop3A_445 : i32
        %parallel_loop3A_447 = arith.constant 0 : i32
        %parallel_loop3A_448 = arith.cmpi slt, %parallel_loop3A_444, %parallel_loop3A_447 : i32
        %parallel_loop3A_449 = arith.constant 0 : i32
        %parallel_loop3A_450 = arith.cmpi slt, %parallel_loop3A_443, %parallel_loop3A_449 : i32
        %parallel_loop3A_451 = arith.xori %parallel_loop3A_448, %parallel_loop3A_450 : i1
        %parallel_loop3A_452 = arith.andi %parallel_loop3A_451, %parallel_loop3A_446 : i1
        %parallel_loop3A_453 = arith.addi %parallel_loop3A_444, %parallel_loop3A_443 : i32
        %parallel_loop3A_454 = arith.select %parallel_loop3A_452, %parallel_loop3A_453, %parallel_loop3A_444 : i32
        %parallel_loop3A_455 = arith.constant 16 : i32
        %parallel_loop3A_456 = arith.muli %parallel_loop3A_454, %parallel_loop3A_455 : i32
        %parallel_loop3A_457 = arith.index_cast %parallel_loop3A_438 : i32 to index
        %parallel_loop3A_458 = arith.index_cast %parallel_loop3A_456 : i32 to index
        %parallel_loop3A_459 = tpu.vector_load %arg14[%parallel_loop3A_457, %parallel_loop3A_458] {strides = array<i32>} : memref<8x1024xf32, #tpu.memory_space<vmem>>, vector<1x16xf32>,
        %parallel_loop3A_460 = vector.shape_cast %parallel_loop3A_459 : vector<1x16xf32> to vector<16xf32>
        %parallel_loop3A_461 = arith.index_cast %parallel_loop3A_438 : i32 to index
        %parallel_loop3A_462 = arith.index_cast %parallel_loop3A_456 : i32 to index
        %parallel_loop3A_463 = tpu.vector_load %arg6[%parallel_loop3A_461, %parallel_loop3A_462] {strides = array<i32>} : memref<8x1024xf32, #tpu.memory_space<vmem>>, vector<1x16xf32>,
        %parallel_loop3A_464 = vector.shape_cast %parallel_loop3A_463 : vector<1x16xf32> to vector<16xf32>
        %parallel_loop3A_465 = arith.addf %parallel_loop3A_464, %parallel_loop3A_460 : vector<16xf32>
        %parallel_loop3A_466 = arith.index_cast %parallel_loop3A_438 : i32 to index
        %parallel_loop3A_467 = arith.index_cast %parallel_loop3A_456 : i32 to index
        %parallel_loop3A_468 = tpu.vector_load %arg6[%parallel_loop3A_466, %parallel_loop3A_467] {strides = array<i32>} : memref<8x1024xf32, #tpu.memory_space<vmem>>, vector<1x16xf32>,
        %parallel_loop3A_469 = vector.shape_cast %parallel_loop3A_468 : vector<1x16xf32> to vector<16xf32>
        %parallel_loop3A_470 = vector.shape_cast %parallel_loop3A_465 : vector<16xf32> to vector<1x16xf32>
        tpu.vector_store %arg6[%parallel_loop3A_466, %parallel_loop3A_467], %parallel_loop3A_470 {strides = array<i32>} : memref<8x1024xf32, #tpu.memory_space<vmem>>, vector<1x16xf32>,
        %parallel_loop3A_471 = arith.index_cast %parallel_loop3A_438 : i32 to index
        %parallel_loop3A_472 = arith.index_cast %parallel_loop3A_456 : i32 to index
        %parallel_loop3A_473 = tpu.vector_load %arg10[%parallel_loop3A_471, %parallel_loop3A_472] {strides = array<i32>} : memref<8x1024xf32, #tpu.memory_space<vmem>>, vector<1x16xf32>,
        %parallel_loop3A_474 = vector.shape_cast %parallel_loop3A_473 : vector<1x16xf32> to vector<16xf32>
        %parallel_loop3A_475 = arith.addf %parallel_loop3A_474, %parallel_loop3A_460 : vector<16xf32>
        %parallel_loop3A_476 = arith.index_cast %parallel_loop3A_438 : i32 to index
        %parallel_loop3A_477 = arith.index_cast %parallel_loop3A_456 : i32 to index
        %parallel_loop3A_478 = tpu.vector_load %arg10[%parallel_loop3A_476, %parallel_loop3A_477] {strides = array<i32>} : memref<8x1024xf32, #tpu.memory_space<vmem>>, vector<1x16xf32>,
        %parallel_loop3A_479 = vector.shape_cast %parallel_loop3A_478 : vector<1x16xf32> to vector<16xf32>
        %parallel_loop3A_480 = vector.shape_cast %parallel_loop3A_475 : vector<16xf32> to vector<1x16xf32>
        tpu.vector_store %arg10[%parallel_loop3A_476, %parallel_loop3A_477], %parallel_loop3A_480 {strides = array<i32>} : memref<8x1024xf32, #tpu.memory_space<vmem>>, vector<1x16xf32>,
      } {sc.loop_unroll_factor = 2 : i64, sc.parallel_access}
      %mul3A_260 = arith.constant 8 : i32
      %mul3A_261 = arith.muli %add3A_219, %mul3A_260 : i32
      %add3A_262 = arith.addi %mul3A_2, %mul3A_261 : i32
      %dma_start3A_263 = arith.constant 0 : i32
      %dma_start3A_264 = arith.constant 1 : i32
      %dma_start3A_265 = arith.constant 0 : i32
      %dma_start3A_266 = tpu.memref_slice %arg4[%add3A_262, %dma_start3A_263, %dma_start3A_265] : memref<8192x2x1024xf32, #tpu.memory_space<hbm>> -> memref<8x1x1024xf32, #tpu.memory_space<hbm>>
      %dma_start3A_267 = tpu.memref_squeeze %dma_start3A_266 : memref<8x1x1024xf32, #tpu.memory_space<hbm>> -> memref<8x1024xf32, #tpu.memory_space<hbm>>
      %dma_start3A_268 = tpu.memref_slice %arg20[%dma_start3A_264] : memref<4x!tpu.dma_semaphore, #tpu.memory_space<semaphore_mem>> -> memref<1x!tpu.dma_semaphore, #tpu.memory_space<semaphore_mem>>
      %dma_start3A_269 = tpu.memref_squeeze %dma_start3A_268 : memref<1x!tpu.dma_semaphore, #tpu.memory_space<semaphore_mem>> -> memref<!tpu.dma_semaphore, #tpu.memory_space<semaphore_mem>>
      %dma_start3A_270 = arith.constant 0 : i32
      %dma_start3A_271 = tpu.memref_slice %arg4[%add3A_262, %dma_start3A_263, %dma_start3A_270] : memref<8192x2x1024xf32, #tpu.memory_space<hbm>> -> memref<8x1x1024xf32, #tpu.memory_space<hbm>>
      %dma_start3A_272 = tpu.memref_squeeze %dma_start3A_271 : memref<8x1x1024xf32, #tpu.memory_space<hbm>> -> memref<8x1024xf32, #tpu.memory_space<hbm>>
      tpu.enqueue_dma source(%arg6 : memref<8x1024xf32, #tpu.memory_space<vmem>>) target(%dma_start3A_272 : memref<8x1024xf32, #tpu.memory_space<hbm>>) target_semaphore(%dma_start3A_269 : memref<!tpu.dma_semaphore, #tpu.memory_space<semaphore_mem>>)
      %dma_start3A_273 = arith.constant 1 : i32
      %dma_start3A_274 = arith.constant 1 : i32
      %dma_start3A_275 = arith.constant 0 : i32
      %dma_start3A_276 = tpu.memref_slice %arg4[%add3A_262, %dma_start3A_273, %dma_start3A_275] : memref<8192x2x1024xf32, #tpu.memory_space<hbm>> -> memref<8x1x1024xf32, #tpu.memory_space<hbm>>
      %dma_start3A_277 = tpu.memref_squeeze %dma_start3A_276 : memref<8x1x1024xf32, #tpu.memory_space<hbm>> -> memref<8x1024xf32, #tpu.memory_space<hbm>>
      %dma_start3A_278 = tpu.memref_slice %arg21[%dma_start3A_274] : memref<4x!tpu.dma_semaphore, #tpu.memory_space<semaphore_mem>> -> memref<1x!tpu.dma_semaphore, #tpu.memory_space<semaphore_mem>>
      %dma_start3A_279 = tpu.memref_squeeze %dma_start3A_278 : memref<1x!tpu.dma_semaphore, #tpu.memory_space<semaphore_mem>> -> memref<!tpu.dma_semaphore, #tpu.memory_space<semaphore_mem>>
      %dma_start3A_280 = arith.constant 0 : i32
      %dma_start3A_281 = tpu.memref_slice %arg4[%add3A_262, %dma_start3A_273, %dma_start3A_280] : memref<8192x2x1024xf32, #tpu.memory_space<hbm>> -> memref<8x1x1024xf32, #tpu.memory_space<hbm>>
      %dma_start3A_282 = tpu.memref_squeeze %dma_start3A_281 : memref<8x1x1024xf32, #tpu.memory_space<hbm>> -> memref<8x1024xf32, #tpu.memory_space<hbm>>
      tpu.enqueue_dma source(%arg10 : memref<8x1024xf32, #tpu.memory_space<vmem>>) target(%dma_start3A_282 : memref<8x1024xf32, #tpu.memory_space<hbm>>) target_semaphore(%dma_start3A_279 : memref<!tpu.dma_semaphore, #tpu.memory_space<semaphore_mem>>)
      %add3A_283 = arith.constant 2 : i32
      %add3A_284 = arith.addi %mul3A_156, %add3A_283 : i32
      %add3A_285 = arith.constant 2 : i32
      %add3A_286 = arith.addi %add3A_284, %add3A_285 : i32
      %lt3A_287 = arith.constant 32 : i32
      %lt3A_288 = arith.cmpi slt, %add3A_286, %lt3A_287 : i32
      %convert_element_type3A_289 = arith.extui %lt3A_288 : i1 to i32
      %cond3A_290 = arith.constant 0 : i32
      %cond3A_291 = arith.cmpi ne, %convert_element_type3A_289, %cond3A_290 : i32
      scf.if %cond3A_291 {
        %ge3A = arith.constant 4 : i32
        %ge3A_414 = arith.cmpi sge, %add3A_286, %ge3A : i32
        %convert_element_type3A_415 = arith.extui %ge3A_414 : i1 to i32
        %cond3A_416 = arith.constant 0 : i32
        %cond3A_417 = arith.cmpi ne, %convert_element_type3A_415, %cond3A_416 : i32
        scf.if %cond3A_417 {
          %sub3A = arith.constant 4 : i32
          %sub3A_448 = arith.subi %add3A_286, %sub3A : i32
          %mul3A_449 = arith.constant 8 : i32
          %mul3A_450 = arith.muli %sub3A_448, %mul3A_449 : i32
          %add3A_451 = arith.addi %mul3A_2, %mul3A_450 : i32
          %dma_wait3A_452 = arith.constant 0 : i32
          %dma_wait3A_453 = arith.constant 0 : i32
          %dma_wait3A_454 = arith.constant 0 : i32
          %dma_wait3A_455 = tpu.memref_slice %arg4[%add3A_451, %dma_wait3A_452, %dma_wait3A_454] : memref<8192x2x1024xf32, #tpu.memory_space<hbm>> -> memref<8x1x1024xf32, #tpu.memory_space<hbm>>
          %dma_wait3A_456 = tpu.memref_squeeze %dma_wait3A_455 : memref<8x1x1024xf32, #tpu.memory_space<hbm>> -> memref<8x1024xf32, #tpu.memory_space<hbm>>
          %dma_wait3A_457 = tpu.memref_slice %arg20[%dma_wait3A_453] : memref<4x!tpu.dma_semaphore, #tpu.memory_space<semaphore_mem>> -> memref<1x!tpu.dma_semaphore, #tpu.memory_space<semaphore_mem>>
          %dma_wait3A_458 = tpu.memref_squeeze %dma_wait3A_457 : memref<1x!tpu.dma_semaphore, #tpu.memory_space<semaphore_mem>> -> memref<!tpu.dma_semaphore, #tpu.memory_space<semaphore_mem>>
          %dma_wait3A_459 = arith.constant 0 : i32
          %dma_wait3A_460 = tpu.memref_slice %arg4[%add3A_451, %dma_wait3A_452, %dma_wait3A_459] : memref<8192x2x1024xf32, #tpu.memory_space<hbm>> -> memref<8x1x1024xf32, #tpu.memory_space<hbm>>
          %dma_wait3A_461 = tpu.memref_squeeze %dma_wait3A_460 : memref<8x1x1024xf32, #tpu.memory_space<hbm>> -> memref<8x1024xf32, #tpu.memory_space<hbm>>
          tpu.wait_dma2 semaphore(%dma_wait3A_458 : memref<!tpu.dma_semaphore, #tpu.memory_space<semaphore_mem>>) src(%arg5 : memref<8x1024xf32, #tpu.memory_space<vmem>>) dst(%dma_wait3A_461 : memref<8x1024xf32, #tpu.memory_space<hbm>>)
          %dma_wait3A_462 = arith.constant 1 : i32
          %dma_wait3A_463 = arith.constant 0 : i32
          %dma_wait3A_464 = arith.constant 0 : i32
          %dma_wait3A_465 = tpu.memref_slice %arg4[%add3A_451, %dma_wait3A_462, %dma_wait3A_464] : memref<8192x2x1024xf32, #tpu.memory_space<hbm>> -> memref<8x1x1024xf32, #tpu.memory_space<hbm>>
          %dma_wait3A_466 = tpu.memref_squeeze %dma_wait3A_465 : memref<8x1x1024xf32, #tpu.memory_space<hbm>> -> memref<8x1024xf32, #tpu.memory_space<hbm>>
          %dma_wait3A_467 = tpu.memref_slice %arg21[%dma_wait3A_463] : memref<4x!tpu.dma_semaphore, #tpu.memory_space<semaphore_mem>> -> memref<1x!tpu.dma_semaphore, #tpu.memory_space<semaphore_mem>>
          %dma_wait3A_468 = tpu.memref_squeeze %dma_wait3A_467 : memref<1x!tpu.dma_semaphore, #tpu.memory_space<semaphore_mem>> -> memref<!tpu.dma_semaphore, #tpu.memory_space<semaphore_mem>>
          %dma_wait3A_469 = arith.constant 0 : i32
          %dma_wait3A_470 = tpu.memref_slice %arg4[%add3A_451, %dma_wait3A_462, %dma_wait3A_469] : memref<8192x2x1024xf32, #tpu.memory_space<hbm>> -> memref<8x1x1024xf32, #tpu.memory_space<hbm>>
          %dma_wait3A_471 = tpu.memref_squeeze %dma_wait3A_470 : memref<8x1x1024xf32, #tpu.memory_space<hbm>> -> memref<8x1024xf32, #tpu.memory_space<hbm>>
          tpu.wait_dma2 semaphore(%dma_wait3A_468 : memref<!tpu.dma_semaphore, #tpu.memory_space<semaphore_mem>>) src(%arg9 : memref<8x1024xf32, #tpu.memory_space<vmem>>) dst(%dma_wait3A_471 : memref<8x1024xf32, #tpu.memory_space<hbm>>)
        } else {
        }
        %mul3A_418 = arith.constant 8 : i32
        %mul3A_419 = arith.muli %add3A_286, %mul3A_418 : i32
        %add3A_420 = arith.addi %mul3A_2, %mul3A_419 : i32
        %dma_start3A_421 = arith.constant 0 : i32
        %dma_start3A_422 = arith.constant 0 : i32
        %dma_start3A_423 = arith.constant 0 : i32
        %dma_start3A_424 = tpu.memref_slice %arg2[%add3A_420, %dma_start3A_421, %dma_start3A_423] : memref<8192x2x1024xf32, #tpu.memory_space<hbm>> -> memref<8x1x1024xf32, #tpu.memory_space<hbm>>
        %dma_start3A_425 = tpu.memref_squeeze %dma_start3A_424 : memref<8x1x1024xf32, #tpu.memory_space<hbm>> -> memref<8x1024xf32, #tpu.memory_space<hbm>>
        %dma_start3A_426 = tpu.memref_slice %arg17[%dma_start3A_422] : memref<4x!tpu.dma_semaphore, #tpu.memory_space<semaphore_mem>> -> memref<1x!tpu.dma_semaphore, #tpu.memory_space<semaphore_mem>>
        %dma_start3A_427 = tpu.memref_squeeze %dma_start3A_426 : memref<1x!tpu.dma_semaphore, #tpu.memory_space<semaphore_mem>> -> memref<!tpu.dma_semaphore, #tpu.memory_space<semaphore_mem>>
        %dma_start3A_428 = arith.constant 0 : i32
        %dma_start3A_429 = tpu.memref_slice %arg2[%add3A_420, %dma_start3A_421, %dma_start3A_428] : memref<8192x2x1024xf32, #tpu.memory_space<hbm>> -> memref<8x1x1024xf32, #tpu.memory_space<hbm>>
        %dma_start3A_430 = tpu.memref_squeeze %dma_start3A_429 : memref<8x1x1024xf32, #tpu.memory_space<hbm>> -> memref<8x1024xf32, #tpu.memory_space<hbm>>
        tpu.enqueue_dma source(%dma_start3A_430 : memref<8x1024xf32, #tpu.memory_space<hbm>>) target(%arg5 : memref<8x1024xf32, #tpu.memory_space<vmem>>) target_semaphore(%dma_start3A_427 : memref<!tpu.dma_semaphore, #tpu.memory_space<semaphore_mem>>)
        %dma_start3A_431 = arith.constant 1 : i32
        %dma_start3A_432 = arith.constant 0 : i32
        %dma_start3A_433 = arith.constant 0 : i32
        %dma_start3A_434 = tpu.memref_slice %arg2[%add3A_420, %dma_start3A_431, %dma_start3A_433] : memref<8192x2x1024xf32, #tpu.memory_space<hbm>> -> memref<8x1x1024xf32, #tpu.memory_space<hbm>>
        %dma_start3A_435 = tpu.memref_squeeze %dma_start3A_434 : memref<8x1x1024xf32, #tpu.memory_space<hbm>> -> memref<8x1024xf32, #tpu.memory_space<hbm>>
        %dma_start3A_436 = tpu.memref_slice %arg18[%dma_start3A_432] : memref<4x!tpu.dma_semaphore, #tpu.memory_space<semaphore_mem>> -> memref<1x!tpu.dma_semaphore, #tpu.memory_space<semaphore_mem>>
        %dma_start3A_437 = tpu.memref_squeeze %dma_start3A_436 : memref<1x!tpu.dma_semaphore, #tpu.memory_space<semaphore_mem>> -> memref<!tpu.dma_semaphore, #tpu.memory_space<semaphore_mem>>
        %dma_start3A_438 = arith.constant 0 : i32
        %dma_start3A_439 = tpu.memref_slice %arg2[%add3A_420, %dma_start3A_431, %dma_start3A_438] : memref<8192x2x1024xf32, #tpu.memory_space<hbm>> -> memref<8x1x1024xf32, #tpu.memory_space<hbm>>
        %dma_start3A_440 = tpu.memref_squeeze %dma_start3A_439 : memref<8x1x1024xf32, #tpu.memory_space<hbm>> -> memref<8x1024xf32, #tpu.memory_space<hbm>>
        tpu.enqueue_dma source(%dma_start3A_440 : memref<8x1024xf32, #tpu.memory_space<hbm>>) target(%arg9 : memref<8x1024xf32, #tpu.memory_space<vmem>>) target_semaphore(%dma_start3A_437 : memref<!tpu.dma_semaphore, #tpu.memory_space<semaphore_mem>>)
        %dma_start3A_441 = arith.constant 0 : i32
        %dma_start3A_442 = arith.constant 0 : i32
        %dma_start3A_443 = tpu.memref_slice %arg3[%add3A_420, %dma_start3A_442] : memref<8192x1024xf32, #tpu.memory_space<hbm>> -> memref<8x1024xf32, #tpu.memory_space<hbm>>
        %dma_start3A_444 = tpu.memref_slice %arg19[%dma_start3A_441] : memref<4x!tpu.dma_semaphore, #tpu.memory_space<semaphore_mem>> -> memref<1x!tpu.dma_semaphore, #tpu.memory_space<semaphore_mem>>
        %dma_start3A_445 = tpu.memref_squeeze %dma_start3A_444 : memref<1x!tpu.dma_semaphore, #tpu.memory_space<semaphore_mem>> -> memref<!tpu.dma_semaphore, #tpu.memory_space<semaphore_mem>>
        %dma_start3A_446 = arith.constant 0 : i32
        %dma_start3A_447 = tpu.memref_slice %arg3[%add3A_420, %dma_start3A_446] : memref<8192x1024xf32, #tpu.memory_space<hbm>> -> memref<8x1024xf32, #tpu.memory_space<hbm>>
        tpu.enqueue_dma source(%dma_start3A_447 : memref<8x1024xf32, #tpu.memory_space<hbm>>) target(%arg13 : memref<8x1024xf32, #tpu.memory_space<vmem>>) target_semaphore(%dma_start3A_445 : memref<!tpu.dma_semaphore, #tpu.memory_space<semaphore_mem>>)
      } else {
      }
      %mul3A_292 = arith.constant 8 : i32
      %mul3A_293 = arith.muli %add3A_284, %mul3A_292 : i32
      %add3A_294 = arith.addi %mul3A_2, %mul3A_293 : i32
      %dma_wait3A_295 = arith.constant 0 : i32
      %dma_wait3A_296 = arith.constant 2 : i32
      %dma_wait3A_297 = arith.constant 0 : i32
      %dma_wait3A_298 = tpu.memref_slice %arg2[%add3A_294, %dma_wait3A_295, %dma_wait3A_297] : memref<8192x2x1024xf32, #tpu.memory_space<hbm>> -> memref<8x1x1024xf32, #tpu.memory_space<hbm>>
      %dma_wait3A_299 = tpu.memref_squeeze %dma_wait3A_298 : memref<8x1x1024xf32, #tpu.memory_space<hbm>> -> memref<8x1024xf32, #tpu.memory_space<hbm>>
      %dma_wait3A_300 = tpu.memref_slice %arg17[%dma_wait3A_296] : memref<4x!tpu.dma_semaphore, #tpu.memory_space<semaphore_mem>> -> memref<1x!tpu.dma_semaphore, #tpu.memory_space<semaphore_mem>>
      %dma_wait3A_301 = tpu.memref_squeeze %dma_wait3A_300 : memref<1x!tpu.dma_semaphore, #tpu.memory_space<semaphore_mem>> -> memref<!tpu.dma_semaphore, #tpu.memory_space<semaphore_mem>>
      %dma_wait3A_302 = arith.constant 0 : i32
      %dma_wait3A_303 = tpu.memref_slice %arg2[%add3A_294, %dma_wait3A_295, %dma_wait3A_302] : memref<8192x2x1024xf32, #tpu.memory_space<hbm>> -> memref<8x1x1024xf32, #tpu.memory_space<hbm>>
      %dma_wait3A_304 = tpu.memref_squeeze %dma_wait3A_303 : memref<8x1x1024xf32, #tpu.memory_space<hbm>> -> memref<8x1024xf32, #tpu.memory_space<hbm>>
      tpu.wait_dma2 semaphore(%dma_wait3A_301 : memref<!tpu.dma_semaphore, #tpu.memory_space<semaphore_mem>>) src(%dma_wait3A_304 : memref<8x1024xf32, #tpu.memory_space<hbm>>) dst(%arg7 : memref<8x1024xf32, #tpu.memory_space<vmem>>)
      %dma_wait3A_305 = arith.constant 1 : i32
      %dma_wait3A_306 = arith.constant 2 : i32
      %dma_wait3A_307 = arith.constant 0 : i32
      %dma_wait3A_308 = tpu.memref_slice %arg2[%add3A_294, %dma_wait3A_305, %dma_wait3A_307] : memref<8192x2x1024xf32, #tpu.memory_space<hbm>> -> memref<8x1x1024xf32, #tpu.memory_space<hbm>>
      %dma_wait3A_309 = tpu.memref_squeeze %dma_wait3A_308 : memref<8x1x1024xf32, #tpu.memory_space<hbm>> -> memref<8x1024xf32, #tpu.memory_space<hbm>>
      %dma_wait3A_310 = tpu.memref_slice %arg18[%dma_wait3A_306] : memref<4x!tpu.dma_semaphore, #tpu.memory_space<semaphore_mem>> -> memref<1x!tpu.dma_semaphore, #tpu.memory_space<semaphore_mem>>
      %dma_wait3A_311 = tpu.memref_squeeze %dma_wait3A_310 : memref<1x!tpu.dma_semaphore, #tpu.memory_space<semaphore_mem>> -> memref<!tpu.dma_semaphore, #tpu.memory_space<semaphore_mem>>
      %dma_wait3A_312 = arith.constant 0 : i32
      %dma_wait3A_313 = tpu.memref_slice %arg2[%add3A_294, %dma_wait3A_305, %dma_wait3A_312] : memref<8192x2x1024xf32, #tpu.memory_space<hbm>> -> memref<8x1x1024xf32, #tpu.memory_space<hbm>>
      %dma_wait3A_314 = tpu.memref_squeeze %dma_wait3A_313 : memref<8x1x1024xf32, #tpu.memory_space<hbm>> -> memref<8x1024xf32, #tpu.memory_space<hbm>>
      tpu.wait_dma2 semaphore(%dma_wait3A_311 : memref<!tpu.dma_semaphore, #tpu.memory_space<semaphore_mem>>) src(%dma_wait3A_314 : memref<8x1024xf32, #tpu.memory_space<hbm>>) dst(%arg11 : memref<8x1024xf32, #tpu.memory_space<vmem>>)
      %dma_wait3A_315 = arith.constant 2 : i32
      %dma_wait3A_316 = arith.constant 0 : i32
      %dma_wait3A_317 = tpu.memref_slice %arg3[%add3A_294, %dma_wait3A_316] : memref<8192x1024xf32, #tpu.memory_space<hbm>> -> memref<8x1024xf32, #tpu.memory_space<hbm>>
      %dma_wait3A_318 = tpu.memref_slice %arg19[%dma_wait3A_315] : memref<4x!tpu.dma_semaphore, #tpu.memory_space<semaphore_mem>> -> memref<1x!tpu.dma_semaphore, #tpu.memory_space<semaphore_mem>>
      %dma_wait3A_319 = tpu.memref_squeeze %dma_wait3A_318 : memref<1x!tpu.dma_semaphore, #tpu.memory_space<semaphore_mem>> -> memref<!tpu.dma_semaphore, #tpu.memory_space<semaphore_mem>>
      %dma_wait3A_320 = arith.constant 0 : i32
      %dma_wait3A_321 = tpu.memref_slice %arg3[%add3A_294, %dma_wait3A_320] : memref<8192x1024xf32, #tpu.memory_space<hbm>> -> memref<8x1024xf32, #tpu.memory_space<hbm>>
      tpu.wait_dma2 semaphore(%dma_wait3A_319 : memref<!tpu.dma_semaphore, #tpu.memory_space<semaphore_mem>>) src(%dma_wait3A_321 : memref<8x1024xf32, #tpu.memory_space<hbm>>) dst(%arg15 : memref<8x1024xf32, #tpu.memory_space<vmem>>)
      %parallel_loop3A_322 = arith.constant 0 : i32
      %parallel_loop3A_323 = arith.constant 512 : i32
      %parallel_loop3A_324 = arith.constant 1 : i32
      scf.for %parallel_loop3A_414 = %parallel_loop3A_322 to %parallel_loop3A_323 step %parallel_loop3A_324  : i32 {
        %parallel_loop3A_415 = arith.constant 64 : i32
        %parallel_loop3A_416 = arith.divsi %parallel_loop3A_414, %parallel_loop3A_415 : i32
        %parallel_loop3A_417 = arith.constant 0 : i32
        %parallel_loop3A_418 = arith.cmpi sgt, %parallel_loop3A_414, %parallel_loop3A_417 : i32
        %parallel_loop3A_419 = arith.extui %parallel_loop3A_418 : i1 to i32
        %parallel_loop3A_420 = arith.constant 0 : i32
        %parallel_loop3A_421 = arith.cmpi slt, %parallel_loop3A_414, %parallel_loop3A_420 : i32
        %parallel_loop3A_422 = arith.extui %parallel_loop3A_421 : i1 to i32
        %parallel_loop3A_423 = arith.subi %parallel_loop3A_419, %parallel_loop3A_422 : i32
        %parallel_loop3A_424 = arith.constant 0 : i32
        %parallel_loop3A_425 = arith.cmpi sgt, %parallel_loop3A_415, %parallel_loop3A_424 : i32
        %parallel_loop3A_426 = arith.extui %parallel_loop3A_425 : i1 to i32
        %parallel_loop3A_427 = arith.constant 0 : i32
        %parallel_loop3A_428 = arith.cmpi slt, %parallel_loop3A_415, %parallel_loop3A_427 : i32
        %parallel_loop3A_429 = arith.extui %parallel_loop3A_428 : i1 to i32
        %parallel_loop3A_430 = arith.subi %parallel_loop3A_426, %parallel_loop3A_429 : i32
        %parallel_loop3A_431 = arith.cmpi ne, %parallel_loop3A_423, %parallel_loop3A_430 : i32
        %parallel_loop3A_432 = arith.remsi %parallel_loop3A_414, %parallel_loop3A_415 : i32
        %parallel_loop3A_433 = arith.constant 0 : i32
        %parallel_loop3A_434 = arith.cmpi ne, %parallel_loop3A_432, %parallel_loop3A_433 : i32
        %parallel_loop3A_435 = arith.andi %parallel_loop3A_431, %parallel_loop3A_434 : i1
        %parallel_loop3A_436 = arith.constant 1 : i32
        %parallel_loop3A_437 = arith.subi %parallel_loop3A_416, %parallel_loop3A_436 : i32
        %parallel_loop3A_438 = arith.select %parallel_loop3A_435, %parallel_loop3A_437, %parallel_loop3A_416 : i32
        %parallel_loop3A_439 = arith.constant 64 : i32
        %parallel_loop3A_440 = arith.constant 0 : i32
        %parallel_loop3A_441 = arith.cmpi eq, %parallel_loop3A_439, %parallel_loop3A_440 : i32
        %parallel_loop3A_442 = arith.constant 1 : i32
        %parallel_loop3A_443 = arith.select %parallel_loop3A_441, %parallel_loop3A_442, %parallel_loop3A_439 : i32
        %parallel_loop3A_444 = arith.remsi %parallel_loop3A_414, %parallel_loop3A_443 : i32
        %parallel_loop3A_445 = arith.constant 0 : i32
        %parallel_loop3A_446 = arith.cmpi ne, %parallel_loop3A_444, %parallel_loop3A_445 : i32
        %parallel_loop3A_447 = arith.constant 0 : i32
        %parallel_loop3A_448 = arith.cmpi slt, %parallel_loop3A_444, %parallel_loop3A_447 : i32
        %parallel_loop3A_449 = arith.constant 0 : i32
        %parallel_loop3A_450 = arith.cmpi slt, %parallel_loop3A_443, %parallel_loop3A_449 : i32
        %parallel_loop3A_451 = arith.xori %parallel_loop3A_448, %parallel_loop3A_450 : i1
        %parallel_loop3A_452 = arith.andi %parallel_loop3A_451, %parallel_loop3A_446 : i1
        %parallel_loop3A_453 = arith.addi %parallel_loop3A_444, %parallel_loop3A_443 : i32
        %parallel_loop3A_454 = arith.select %parallel_loop3A_452, %parallel_loop3A_453, %parallel_loop3A_444 : i32
        %parallel_loop3A_455 = arith.constant 16 : i32
        %parallel_loop3A_456 = arith.muli %parallel_loop3A_454, %parallel_loop3A_455 : i32
        %parallel_loop3A_457 = arith.index_cast %parallel_loop3A_438 : i32 to index
        %parallel_loop3A_458 = arith.index_cast %parallel_loop3A_456 : i32 to index
        %parallel_loop3A_459 = tpu.vector_load %arg15[%parallel_loop3A_457, %parallel_loop3A_458] {strides = array<i32>} : memref<8x1024xf32, #tpu.memory_space<vmem>>, vector<1x16xf32>,
        %parallel_loop3A_460 = vector.shape_cast %parallel_loop3A_459 : vector<1x16xf32> to vector<16xf32>
        %parallel_loop3A_461 = arith.index_cast %parallel_loop3A_438 : i32 to index
        %parallel_loop3A_462 = arith.index_cast %parallel_loop3A_456 : i32 to index
        %parallel_loop3A_463 = tpu.vector_load %arg7[%parallel_loop3A_461, %parallel_loop3A_462] {strides = array<i32>} : memref<8x1024xf32, #tpu.memory_space<vmem>>, vector<1x16xf32>,
        %parallel_loop3A_464 = vector.shape_cast %parallel_loop3A_463 : vector<1x16xf32> to vector<16xf32>
        %parallel_loop3A_465 = arith.addf %parallel_loop3A_464, %parallel_loop3A_460 : vector<16xf32>
        %parallel_loop3A_466 = arith.index_cast %parallel_loop3A_438 : i32 to index
        %parallel_loop3A_467 = arith.index_cast %parallel_loop3A_456 : i32 to index
        %parallel_loop3A_468 = tpu.vector_load %arg7[%parallel_loop3A_466, %parallel_loop3A_467] {strides = array<i32>} : memref<8x1024xf32, #tpu.memory_space<vmem>>, vector<1x16xf32>,
        %parallel_loop3A_469 = vector.shape_cast %parallel_loop3A_468 : vector<1x16xf32> to vector<16xf32>
        %parallel_loop3A_470 = vector.shape_cast %parallel_loop3A_465 : vector<16xf32> to vector<1x16xf32>
        tpu.vector_store %arg7[%parallel_loop3A_466, %parallel_loop3A_467], %parallel_loop3A_470 {strides = array<i32>} : memref<8x1024xf32, #tpu.memory_space<vmem>>, vector<1x16xf32>,
        %parallel_loop3A_471 = arith.index_cast %parallel_loop3A_438 : i32 to index
        %parallel_loop3A_472 = arith.index_cast %parallel_loop3A_456 : i32 to index
        %parallel_loop3A_473 = tpu.vector_load %arg11[%parallel_loop3A_471, %parallel_loop3A_472] {strides = array<i32>} : memref<8x1024xf32, #tpu.memory_space<vmem>>, vector<1x16xf32>,
        %parallel_loop3A_474 = vector.shape_cast %parallel_loop3A_473 : vector<1x16xf32> to vector<16xf32>
        %parallel_loop3A_475 = arith.addf %parallel_loop3A_474, %parallel_loop3A_460 : vector<16xf32>
        %parallel_loop3A_476 = arith.index_cast %parallel_loop3A_438 : i32 to index
        %parallel_loop3A_477 = arith.index_cast %parallel_loop3A_456 : i32 to index
        %parallel_loop3A_478 = tpu.vector_load %arg11[%parallel_loop3A_476, %parallel_loop3A_477] {strides = array<i32>} : memref<8x1024xf32, #tpu.memory_space<vmem>>, vector<1x16xf32>,
        %parallel_loop3A_479 = vector.shape_cast %parallel_loop3A_478 : vector<1x16xf32> to vector<16xf32>
        %parallel_loop3A_480 = vector.shape_cast %parallel_loop3A_475 : vector<16xf32> to vector<1x16xf32>
        tpu.vector_store %arg11[%parallel_loop3A_476, %parallel_loop3A_477], %parallel_loop3A_480 {strides = array<i32>} : memref<8x1024xf32, #tpu.memory_space<vmem>>, vector<1x16xf32>,
      } {sc.loop_unroll_factor = 2 : i64, sc.parallel_access}
      %mul3A_325 = arith.constant 8 : i32
      %mul3A_326 = arith.muli %add3A_284, %mul3A_325 : i32
      %add3A_327 = arith.addi %mul3A_2, %mul3A_326 : i32
      %dma_start3A_328 = arith.constant 0 : i32
      %dma_start3A_329 = arith.constant 2 : i32
      %dma_start3A_330 = arith.constant 0 : i32
      %dma_start3A_331 = tpu.memref_slice %arg4[%add3A_327, %dma_start3A_328, %dma_start3A_330] : memref<8192x2x1024xf32, #tpu.memory_space<hbm>> -> memref<8x1x1024xf32, #tpu.memory_space<hbm>>
      %dma_start3A_332 = tpu.memref_squeeze %dma_start3A_331 : memref<8x1x1024xf32, #tpu.memory_space<hbm>> -> memref<8x1024xf32, #tpu.memory_space<hbm>>
      %dma_start3A_333 = tpu.memref_slice %arg20[%dma_start3A_329] : memref<4x!tpu.dma_semaphore, #tpu.memory_space<semaphore_mem>> -> memref<1x!tpu.dma_semaphore, #tpu.memory_space<semaphore_mem>>
      %dma_start3A_334 = tpu.memref_squeeze %dma_start3A_333 : memref<1x!tpu.dma_semaphore, #tpu.memory_space<semaphore_mem>> -> memref<!tpu.dma_semaphore, #tpu.memory_space<semaphore_mem>>
      %dma_start3A_335 = arith.constant 0 : i32
      %dma_start3A_336 = tpu.memref_slice %arg4[%add3A_327, %dma_start3A_328, %dma_start3A_335] : memref<8192x2x1024xf32, #tpu.memory_space<hbm>> -> memref<8x1x1024xf32, #tpu.memory_space<hbm>>
      %dma_start3A_337 = tpu.memref_squeeze %dma_start3A_336 : memref<8x1x1024xf32, #tpu.memory_space<hbm>> -> memref<8x1024xf32, #tpu.memory_space<hbm>>
      tpu.enqueue_dma source(%arg7 : memref<8x1024xf32, #tpu.memory_space<vmem>>) target(%dma_start3A_337 : memref<8x1024xf32, #tpu.memory_space<hbm>>) target_semaphore(%dma_start3A_334 : memref<!tpu.dma_semaphore, #tpu.memory_space<semaphore_mem>>)
      %dma_start3A_338 = arith.constant 1 : i32
      %dma_start3A_339 = arith.constant 2 : i32
      %dma_start3A_340 = arith.constant 0 : i32
      %dma_start3A_341 = tpu.memref_slice %arg4[%add3A_327, %dma_start3A_338, %dma_start3A_340] : memref<8192x2x1024xf32, #tpu.memory_space<hbm>> -> memref<8x1x1024xf32, #tpu.memory_space<hbm>>
      %dma_start3A_342 = tpu.memref_squeeze %dma_start3A_341 : memref<8x1x1024xf32, #tpu.memory_space<hbm>> -> memref<8x1024xf32, #tpu.memory_space<hbm>>
      %dma_start3A_343 = tpu.memref_slice %arg21[%dma_start3A_339] : memref<4x!tpu.dma_semaphore, #tpu.memory_space<semaphore_mem>> -> memref<1x!tpu.dma_semaphore, #tpu.memory_space<semaphore_mem>>
      %dma_start3A_344 = tpu.memref_squeeze %dma_start3A_343 : memref<1x!tpu.dma_semaphore, #tpu.memory_space<semaphore_mem>> -> memref<!tpu.dma_semaphore, #tpu.memory_space<semaphore_mem>>
      %dma_start3A_345 = arith.constant 0 : i32
      %dma_start3A_346 = tpu.memref_slice %arg4[%add3A_327, %dma_start3A_338, %dma_start3A_345] : memref<8192x2x1024xf32, #tpu.memory_space<hbm>> -> memref<8x1x1024xf32, #tpu.memory_space<hbm>>
      %dma_start3A_347 = tpu.memref_squeeze %dma_start3A_346 : memref<8x1x1024xf32, #tpu.memory_space<hbm>> -> memref<8x1024xf32, #tpu.memory_space<hbm>>
      tpu.enqueue_dma source(%arg11 : memref<8x1024xf32, #tpu.memory_space<vmem>>) target(%dma_start3A_347 : memref<8x1024xf32, #tpu.memory_space<hbm>>) target_semaphore(%dma_start3A_344 : memref<!tpu.dma_semaphore, #tpu.memory_space<semaphore_mem>>)
      %add3A_348 = arith.constant 3 : i32
      %add3A_349 = arith.addi %mul3A_156, %add3A_348 : i32
      %add3A_350 = arith.constant 2 : i32
      %add3A_351 = arith.addi %add3A_349, %add3A_350 : i32
      %lt3A_352 = arith.constant 32 : i32
      %lt3A_353 = arith.cmpi slt, %add3A_351, %lt3A_352 : i32
      %convert_element_type3A_354 = arith.extui %lt3A_353 : i1 to i32
      %cond3A_355 = arith.constant 0 : i32
      %cond3A_356 = arith.cmpi ne, %convert_element_type3A_354, %cond3A_355 : i32
      scf.if %cond3A_356 {
        %ge3A = arith.constant 4 : i32
        %ge3A_414 = arith.cmpi sge, %add3A_351, %ge3A : i32
        %convert_element_type3A_415 = arith.extui %ge3A_414 : i1 to i32
        %cond3A_416 = arith.constant 0 : i32
        %cond3A_417 = arith.cmpi ne, %convert_element_type3A_415, %cond3A_416 : i32
        scf.if %cond3A_417 {
          %sub3A = arith.constant 4 : i32
          %sub3A_448 = arith.subi %add3A_351, %sub3A : i32
          %mul3A_449 = arith.constant 8 : i32
          %mul3A_450 = arith.muli %sub3A_448, %mul3A_449 : i32
          %add3A_451 = arith.addi %mul3A_2, %mul3A_450 : i32
          %dma_wait3A_452 = arith.constant 0 : i32
          %dma_wait3A_453 = arith.constant 1 : i32
          %dma_wait3A_454 = arith.constant 0 : i32
          %dma_wait3A_455 = tpu.memref_slice %arg4[%add3A_451, %dma_wait3A_452, %dma_wait3A_454] : memref<8192x2x1024xf32, #tpu.memory_space<hbm>> -> memref<8x1x1024xf32, #tpu.memory_space<hbm>>
          %dma_wait3A_456 = tpu.memref_squeeze %dma_wait3A_455 : memref<8x1x1024xf32, #tpu.memory_space<hbm>> -> memref<8x1024xf32, #tpu.memory_space<hbm>>
          %dma_wait3A_457 = tpu.memref_slice %arg20[%dma_wait3A_453] : memref<4x!tpu.dma_semaphore, #tpu.memory_space<semaphore_mem>> -> memref<1x!tpu.dma_semaphore, #tpu.memory_space<semaphore_mem>>
          %dma_wait3A_458 = tpu.memref_squeeze %dma_wait3A_457 : memref<1x!tpu.dma_semaphore, #tpu.memory_space<semaphore_mem>> -> memref<!tpu.dma_semaphore, #tpu.memory_space<semaphore_mem>>
          %dma_wait3A_459 = arith.constant 0 : i32
          %dma_wait3A_460 = tpu.memref_slice %arg4[%add3A_451, %dma_wait3A_452, %dma_wait3A_459] : memref<8192x2x1024xf32, #tpu.memory_space<hbm>> -> memref<8x1x1024xf32, #tpu.memory_space<hbm>>
          %dma_wait3A_461 = tpu.memref_squeeze %dma_wait3A_460 : memref<8x1x1024xf32, #tpu.memory_space<hbm>> -> memref<8x1024xf32, #tpu.memory_space<hbm>>
          tpu.wait_dma2 semaphore(%dma_wait3A_458 : memref<!tpu.dma_semaphore, #tpu.memory_space<semaphore_mem>>) src(%arg6 : memref<8x1024xf32, #tpu.memory_space<vmem>>) dst(%dma_wait3A_461 : memref<8x1024xf32, #tpu.memory_space<hbm>>)
          %dma_wait3A_462 = arith.constant 1 : i32
          %dma_wait3A_463 = arith.constant 1 : i32
          %dma_wait3A_464 = arith.constant 0 : i32
          %dma_wait3A_465 = tpu.memref_slice %arg4[%add3A_451, %dma_wait3A_462, %dma_wait3A_464] : memref<8192x2x1024xf32, #tpu.memory_space<hbm>> -> memref<8x1x1024xf32, #tpu.memory_space<hbm>>
          %dma_wait3A_466 = tpu.memref_squeeze %dma_wait3A_465 : memref<8x1x1024xf32, #tpu.memory_space<hbm>> -> memref<8x1024xf32, #tpu.memory_space<hbm>>
          %dma_wait3A_467 = tpu.memref_slice %arg21[%dma_wait3A_463] : memref<4x!tpu.dma_semaphore, #tpu.memory_space<semaphore_mem>> -> memref<1x!tpu.dma_semaphore, #tpu.memory_space<semaphore_mem>>
          %dma_wait3A_468 = tpu.memref_squeeze %dma_wait3A_467 : memref<1x!tpu.dma_semaphore, #tpu.memory_space<semaphore_mem>> -> memref<!tpu.dma_semaphore, #tpu.memory_space<semaphore_mem>>
          %dma_wait3A_469 = arith.constant 0 : i32
          %dma_wait3A_470 = tpu.memref_slice %arg4[%add3A_451, %dma_wait3A_462, %dma_wait3A_469] : memref<8192x2x1024xf32, #tpu.memory_space<hbm>> -> memref<8x1x1024xf32, #tpu.memory_space<hbm>>
          %dma_wait3A_471 = tpu.memref_squeeze %dma_wait3A_470 : memref<8x1x1024xf32, #tpu.memory_space<hbm>> -> memref<8x1024xf32, #tpu.memory_space<hbm>>
          tpu.wait_dma2 semaphore(%dma_wait3A_468 : memref<!tpu.dma_semaphore, #tpu.memory_space<semaphore_mem>>) src(%arg10 : memref<8x1024xf32, #tpu.memory_space<vmem>>) dst(%dma_wait3A_471 : memref<8x1024xf32, #tpu.memory_space<hbm>>)
        } else {
        }
        %mul3A_418 = arith.constant 8 : i32
        %mul3A_419 = arith.muli %add3A_351, %mul3A_418 : i32
        %add3A_420 = arith.addi %mul3A_2, %mul3A_419 : i32
        %dma_start3A_421 = arith.constant 0 : i32
        %dma_start3A_422 = arith.constant 1 : i32
        %dma_start3A_423 = arith.constant 0 : i32
        %dma_start3A_424 = tpu.memref_slice %arg2[%add3A_420, %dma_start3A_421, %dma_start3A_423] : memref<8192x2x1024xf32, #tpu.memory_space<hbm>> -> memref<8x1x1024xf32, #tpu.memory_space<hbm>>
        %dma_start3A_425 = tpu.memref_squeeze %dma_start3A_424 : memref<8x1x1024xf32, #tpu.memory_space<hbm>> -> memref<8x1024xf32, #tpu.memory_space<hbm>>
        %dma_start3A_426 = tpu.memref_slice %arg17[%dma_start3A_422] : memref<4x!tpu.dma_semaphore, #tpu.memory_space<semaphore_mem>> -> memref<1x!tpu.dma_semaphore, #tpu.memory_space<semaphore_mem>>
        %dma_start3A_427 = tpu.memref_squeeze %dma_start3A_426 : memref<1x!tpu.dma_semaphore, #tpu.memory_space<semaphore_mem>> -> memref<!tpu.dma_semaphore, #tpu.memory_space<semaphore_mem>>
        %dma_start3A_428 = arith.constant 0 : i32
        %dma_start3A_429 = tpu.memref_slice %arg2[%add3A_420, %dma_start3A_421, %dma_start3A_428] : memref<8192x2x1024xf32, #tpu.memory_space<hbm>> -> memref<8x1x1024xf32, #tpu.memory_space<hbm>>
        %dma_start3A_430 = tpu.memref_squeeze %dma_start3A_429 : memref<8x1x1024xf32, #tpu.memory_space<hbm>> -> memref<8x1024xf32, #tpu.memory_space<hbm>>
        tpu.enqueue_dma source(%dma_start3A_430 : memref<8x1024xf32, #tpu.memory_space<hbm>>) target(%arg6 : memref<8x1024xf32, #tpu.memory_space<vmem>>) target_semaphore(%dma_start3A_427 : memref<!tpu.dma_semaphore, #tpu.memory_space<semaphore_mem>>)
        %dma_start3A_431 = arith.constant 1 : i32
        %dma_start3A_432 = arith.constant 1 : i32
        %dma_start3A_433 = arith.constant 0 : i32
        %dma_start3A_434 = tpu.memref_slice %arg2[%add3A_420, %dma_start3A_431, %dma_start3A_433] : memref<8192x2x1024xf32, #tpu.memory_space<hbm>> -> memref<8x1x1024xf32, #tpu.memory_space<hbm>>
        %dma_start3A_435 = tpu.memref_squeeze %dma_start3A_434 : memref<8x1x1024xf32, #tpu.memory_space<hbm>> -> memref<8x1024xf32, #tpu.memory_space<hbm>>
        %dma_start3A_436 = tpu.memref_slice %arg18[%dma_start3A_432] : memref<4x!tpu.dma_semaphore, #tpu.memory_space<semaphore_mem>> -> memref<1x!tpu.dma_semaphore, #tpu.memory_space<semaphore_mem>>
        %dma_start3A_437 = tpu.memref_squeeze %dma_start3A_436 : memref<1x!tpu.dma_semaphore, #tpu.memory_space<semaphore_mem>> -> memref<!tpu.dma_semaphore, #tpu.memory_space<semaphore_mem>>
        %dma_start3A_438 = arith.constant 0 : i32
        %dma_start3A_439 = tpu.memref_slice %arg2[%add3A_420, %dma_start3A_431, %dma_start3A_438] : memref<8192x2x1024xf32, #tpu.memory_space<hbm>> -> memref<8x1x1024xf32, #tpu.memory_space<hbm>>
        %dma_start3A_440 = tpu.memref_squeeze %dma_start3A_439 : memref<8x1x1024xf32, #tpu.memory_space<hbm>> -> memref<8x1024xf32, #tpu.memory_space<hbm>>
        tpu.enqueue_dma source(%dma_start3A_440 : memref<8x1024xf32, #tpu.memory_space<hbm>>) target(%arg10 : memref<8x1024xf32, #tpu.memory_space<vmem>>) target_semaphore(%dma_start3A_437 : memref<!tpu.dma_semaphore, #tpu.memory_space<semaphore_mem>>)
        %dma_start3A_441 = arith.constant 1 : i32
        %dma_start3A_442 = arith.constant 0 : i32
        %dma_start3A_443 = tpu.memref_slice %arg3[%add3A_420, %dma_start3A_442] : memref<8192x1024xf32, #tpu.memory_space<hbm>> -> memref<8x1024xf32, #tpu.memory_space<hbm>>
        %dma_start3A_444 = tpu.memref_slice %arg19[%dma_start3A_441] : memref<4x!tpu.dma_semaphore, #tpu.memory_space<semaphore_mem>> -> memref<1x!tpu.dma_semaphore, #tpu.memory_space<semaphore_mem>>
        %dma_start3A_445 = tpu.memref_squeeze %dma_start3A_444 : memref<1x!tpu.dma_semaphore, #tpu.memory_space<semaphore_mem>> -> memref<!tpu.dma_semaphore, #tpu.memory_space<semaphore_mem>>
        %dma_start3A_446 = arith.constant 0 : i32
        %dma_start3A_447 = tpu.memref_slice %arg3[%add3A_420, %dma_start3A_446] : memref<8192x1024xf32, #tpu.memory_space<hbm>> -> memref<8x1024xf32, #tpu.memory_space<hbm>>
        tpu.enqueue_dma source(%dma_start3A_447 : memref<8x1024xf32, #tpu.memory_space<hbm>>) target(%arg14 : memref<8x1024xf32, #tpu.memory_space<vmem>>) target_semaphore(%dma_start3A_445 : memref<!tpu.dma_semaphore, #tpu.memory_space<semaphore_mem>>)
      } else {
      }
      %mul3A_357 = arith.constant 8 : i32
      %mul3A_358 = arith.muli %add3A_349, %mul3A_357 : i32
      %add3A_359 = arith.addi %mul3A_2, %mul3A_358 : i32
      %dma_wait3A_360 = arith.constant 0 : i32
      %dma_wait3A_361 = arith.constant 3 : i32
      %dma_wait3A_362 = arith.constant 0 : i32
      %dma_wait3A_363 = tpu.memref_slice %arg2[%add3A_359, %dma_wait3A_360, %dma_wait3A_362] : memref<8192x2x1024xf32, #tpu.memory_space<hbm>> -> memref<8x1x1024xf32, #tpu.memory_space<hbm>>
      %dma_wait3A_364 = tpu.memref_squeeze %dma_wait3A_363 : memref<8x1x1024xf32, #tpu.memory_space<hbm>> -> memref<8x1024xf32, #tpu.memory_space<hbm>>
      %dma_wait3A_365 = tpu.memref_slice %arg17[%dma_wait3A_361] : memref<4x!tpu.dma_semaphore, #tpu.memory_space<semaphore_mem>> -> memref<1x!tpu.dma_semaphore, #tpu.memory_space<semaphore_mem>>
      %dma_wait3A_366 = tpu.memref_squeeze %dma_wait3A_365 : memref<1x!tpu.dma_semaphore, #tpu.memory_space<semaphore_mem>> -> memref<!tpu.dma_semaphore, #tpu.memory_space<semaphore_mem>>
      %dma_wait3A_367 = arith.constant 0 : i32
      %dma_wait3A_368 = tpu.memref_slice %arg2[%add3A_359, %dma_wait3A_360, %dma_wait3A_367] : memref<8192x2x1024xf32, #tpu.memory_space<hbm>> -> memref<8x1x1024xf32, #tpu.memory_space<hbm>>
      %dma_wait3A_369 = tpu.memref_squeeze %dma_wait3A_368 : memref<8x1x1024xf32, #tpu.memory_space<hbm>> -> memref<8x1024xf32, #tpu.memory_space<hbm>>
      tpu.wait_dma2 semaphore(%dma_wait3A_366 : memref<!tpu.dma_semaphore, #tpu.memory_space<semaphore_mem>>) src(%dma_wait3A_369 : memref<8x1024xf32, #tpu.memory_space<hbm>>) dst(%arg8 : memref<8x1024xf32, #tpu.memory_space<vmem>>)
      %dma_wait3A_370 = arith.constant 1 : i32
      %dma_wait3A_371 = arith.constant 3 : i32
      %dma_wait3A_372 = arith.constant 0 : i32
      %dma_wait3A_373 = tpu.memref_slice %arg2[%add3A_359, %dma_wait3A_370, %dma_wait3A_372] : memref<8192x2x1024xf32, #tpu.memory_space<hbm>> -> memref<8x1x1024xf32, #tpu.memory_space<hbm>>
      %dma_wait3A_374 = tpu.memref_squeeze %dma_wait3A_373 : memref<8x1x1024xf32, #tpu.memory_space<hbm>> -> memref<8x1024xf32, #tpu.memory_space<hbm>>
      %dma_wait3A_375 = tpu.memref_slice %arg18[%dma_wait3A_371] : memref<4x!tpu.dma_semaphore, #tpu.memory_space<semaphore_mem>> -> memref<1x!tpu.dma_semaphore, #tpu.memory_space<semaphore_mem>>
      %dma_wait3A_376 = tpu.memref_squeeze %dma_wait3A_375 : memref<1x!tpu.dma_semaphore, #tpu.memory_space<semaphore_mem>> -> memref<!tpu.dma_semaphore, #tpu.memory_space<semaphore_mem>>
      %dma_wait3A_377 = arith.constant 0 : i32
      %dma_wait3A_378 = tpu.memref_slice %arg2[%add3A_359, %dma_wait3A_370, %dma_wait3A_377] : memref<8192x2x1024xf32, #tpu.memory_space<hbm>> -> memref<8x1x1024xf32, #tpu.memory_space<hbm>>
      %dma_wait3A_379 = tpu.memref_squeeze %dma_wait3A_378 : memref<8x1x1024xf32, #tpu.memory_space<hbm>> -> memref<8x1024xf32, #tpu.memory_space<hbm>>
      tpu.wait_dma2 semaphore(%dma_wait3A_376 : memref<!tpu.dma_semaphore, #tpu.memory_space<semaphore_mem>>) src(%dma_wait3A_379 : memref<8x1024xf32, #tpu.memory_space<hbm>>) dst(%arg12 : memref<8x1024xf32, #tpu.memory_space<vmem>>)
      %dma_wait3A_380 = arith.constant 3 : i32
      %dma_wait3A_381 = arith.constant 0 : i32
      %dma_wait3A_382 = tpu.memref_slice %arg3[%add3A_359, %dma_wait3A_381] : memref<8192x1024xf32, #tpu.memory_space<hbm>> -> memref<8x1024xf32, #tpu.memory_space<hbm>>
      %dma_wait3A_383 = tpu.memref_slice %arg19[%dma_wait3A_380] : memref<4x!tpu.dma_semaphore, #tpu.memory_space<semaphore_mem>> -> memref<1x!tpu.dma_semaphore, #tpu.memory_space<semaphore_mem>>
      %dma_wait3A_384 = tpu.memref_squeeze %dma_wait3A_383 : memref<1x!tpu.dma_semaphore, #tpu.memory_space<semaphore_mem>> -> memref<!tpu.dma_semaphore, #tpu.memory_space<semaphore_mem>>
      %dma_wait3A_385 = arith.constant 0 : i32
      %dma_wait3A_386 = tpu.memref_slice %arg3[%add3A_359, %dma_wait3A_385] : memref<8192x1024xf32, #tpu.memory_space<hbm>> -> memref<8x1024xf32, #tpu.memory_space<hbm>>
      tpu.wait_dma2 semaphore(%dma_wait3A_384 : memref<!tpu.dma_semaphore, #tpu.memory_space<semaphore_mem>>) src(%dma_wait3A_386 : memref<8x1024xf32, #tpu.memory_space<hbm>>) dst(%arg16 : memref<8x1024xf32, #tpu.memory_space<vmem>>)
      %parallel_loop3A_387 = arith.constant 0 : i32
      %parallel_loop3A_388 = arith.constant 512 : i32
      %parallel_loop3A_389 = arith.constant 1 : i32
      scf.for %parallel_loop3A_414 = %parallel_loop3A_387 to %parallel_loop3A_388 step %parallel_loop3A_389  : i32 {
        %parallel_loop3A_415 = arith.constant 64 : i32
        %parallel_loop3A_416 = arith.divsi %parallel_loop3A_414, %parallel_loop3A_415 : i32
        %parallel_loop3A_417 = arith.constant 0 : i32
        %parallel_loop3A_418 = arith.cmpi sgt, %parallel_loop3A_414, %parallel_loop3A_417 : i32
        %parallel_loop3A_419 = arith.extui %parallel_loop3A_418 : i1 to i32
        %parallel_loop3A_420 = arith.constant 0 : i32
        %parallel_loop3A_421 = arith.cmpi slt, %parallel_loop3A_414, %parallel_loop3A_420 : i32
        %parallel_loop3A_422 = arith.extui %parallel_loop3A_421 : i1 to i32
        %parallel_loop3A_423 = arith.subi %parallel_loop3A_419, %parallel_loop3A_422 : i32
        %parallel_loop3A_424 = arith.constant 0 : i32
        %parallel_loop3A_425 = arith.cmpi sgt, %parallel_loop3A_415, %parallel_loop3A_424 : i32
        %parallel_loop3A_426 = arith.extui %parallel_loop3A_425 : i1 to i32
        %parallel_loop3A_427 = arith.constant 0 : i32
        %parallel_loop3A_428 = arith.cmpi slt, %parallel_loop3A_415, %parallel_loop3A_427 : i32
        %parallel_loop3A_429 = arith.extui %parallel_loop3A_428 : i1 to i32
        %parallel_loop3A_430 = arith.subi %parallel_loop3A_426, %parallel_loop3A_429 : i32
        %parallel_loop3A_431 = arith.cmpi ne, %parallel_loop3A_423, %parallel_loop3A_430 : i32
        %parallel_loop3A_432 = arith.remsi %parallel_loop3A_414, %parallel_loop3A_415 : i32
        %parallel_loop3A_433 = arith.constant 0 : i32
        %parallel_loop3A_434 = arith.cmpi ne, %parallel_loop3A_432, %parallel_loop3A_433 : i32
        %parallel_loop3A_435 = arith.andi %parallel_loop3A_431, %parallel_loop3A_434 : i1
        %parallel_loop3A_436 = arith.constant 1 : i32
        %parallel_loop3A_437 = arith.subi %parallel_loop3A_416, %parallel_loop3A_436 : i32
        %parallel_loop3A_438 = arith.select %parallel_loop3A_435, %parallel_loop3A_437, %parallel_loop3A_416 : i32
        %parallel_loop3A_439 = arith.constant 64 : i32
        %parallel_loop3A_440 = arith.constant 0 : i32
        %parallel_loop3A_441 = arith.cmpi eq, %parallel_loop3A_439, %parallel_loop3A_440 : i32
        %parallel_loop3A_442 = arith.constant 1 : i32
        %parallel_loop3A_443 = arith.select %parallel_loop3A_441, %parallel_loop3A_442, %parallel_loop3A_439 : i32
        %parallel_loop3A_444 = arith.remsi %parallel_loop3A_414, %parallel_loop3A_443 : i32
        %parallel_loop3A_445 = arith.constant 0 : i32
        %parallel_loop3A_446 = arith.cmpi ne, %parallel_loop3A_444, %parallel_loop3A_445 : i32
        %parallel_loop3A_447 = arith.constant 0 : i32
        %parallel_loop3A_448 = arith.cmpi slt, %parallel_loop3A_444, %parallel_loop3A_447 : i32
        %parallel_loop3A_449 = arith.constant 0 : i32
        %parallel_loop3A_450 = arith.cmpi slt, %parallel_loop3A_443, %parallel_loop3A_449 : i32
        %parallel_loop3A_451 = arith.xori %parallel_loop3A_448, %parallel_loop3A_450 : i1
        %parallel_loop3A_452 = arith.andi %parallel_loop3A_451, %parallel_loop3A_446 : i1
        %parallel_loop3A_453 = arith.addi %parallel_loop3A_444, %parallel_loop3A_443 : i32
        %parallel_loop3A_454 = arith.select %parallel_loop3A_452, %parallel_loop3A_453, %parallel_loop3A_444 : i32
        %parallel_loop3A_455 = arith.constant 16 : i32
        %parallel_loop3A_456 = arith.muli %parallel_loop3A_454, %parallel_loop3A_455 : i32
        %parallel_loop3A_457 = arith.index_cast %parallel_loop3A_438 : i32 to index
        %parallel_loop3A_458 = arith.index_cast %parallel_loop3A_456 : i32 to index
        %parallel_loop3A_459 = tpu.vector_load %arg16[%parallel_loop3A_457, %parallel_loop3A_458] {strides = array<i32>} : memref<8x1024xf32, #tpu.memory_space<vmem>>, vector<1x16xf32>,
        %parallel_loop3A_460 = vector.shape_cast %parallel_loop3A_459 : vector<1x16xf32> to vector<16xf32>
        %parallel_loop3A_461 = arith.index_cast %parallel_loop3A_438 : i32 to index
        %parallel_loop3A_462 = arith.index_cast %parallel_loop3A_456 : i32 to index
        %parallel_loop3A_463 = tpu.vector_load %arg8[%parallel_loop3A_461, %parallel_loop3A_462] {strides = array<i32>} : memref<8x1024xf32, #tpu.memory_space<vmem>>, vector<1x16xf32>,
        %parallel_loop3A_464 = vector.shape_cast %parallel_loop3A_463 : vector<1x16xf32> to vector<16xf32>
        %parallel_loop3A_465 = arith.addf %parallel_loop3A_464, %parallel_loop3A_460 : vector<16xf32>
        %parallel_loop3A_466 = arith.index_cast %parallel_loop3A_438 : i32 to index
        %parallel_loop3A_467 = arith.index_cast %parallel_loop3A_456 : i32 to index
        %parallel_loop3A_468 = tpu.vector_load %arg8[%parallel_loop3A_466, %parallel_loop3A_467] {strides = array<i32>} : memref<8x1024xf32, #tpu.memory_space<vmem>>, vector<1x16xf32>,
        %parallel_loop3A_469 = vector.shape_cast %parallel_loop3A_468 : vector<1x16xf32> to vector<16xf32>
        %parallel_loop3A_470 = vector.shape_cast %parallel_loop3A_465 : vector<16xf32> to vector<1x16xf32>
        tpu.vector_store %arg8[%parallel_loop3A_466, %parallel_loop3A_467], %parallel_loop3A_470 {strides = array<i32>} : memref<8x1024xf32, #tpu.memory_space<vmem>>, vector<1x16xf32>,
        %parallel_loop3A_471 = arith.index_cast %parallel_loop3A_438 : i32 to index
        %parallel_loop3A_472 = arith.index_cast %parallel_loop3A_456 : i32 to index
        %parallel_loop3A_473 = tpu.vector_load %arg12[%parallel_loop3A_471, %parallel_loop3A_472] {strides = array<i32>} : memref<8x1024xf32, #tpu.memory_space<vmem>>, vector<1x16xf32>,
        %parallel_loop3A_474 = vector.shape_cast %parallel_loop3A_473 : vector<1x16xf32> to vector<16xf32>
        %parallel_loop3A_475 = arith.addf %parallel_loop3A_474, %parallel_loop3A_460 : vector<16xf32>
        %parallel_loop3A_476 = arith.index_cast %parallel_loop3A_438 : i32 to index
        %parallel_loop3A_477 = arith.index_cast %parallel_loop3A_456 : i32 to index
        %parallel_loop3A_478 = tpu.vector_load %arg12[%parallel_loop3A_476, %parallel_loop3A_477] {strides = array<i32>} : memref<8x1024xf32, #tpu.memory_space<vmem>>, vector<1x16xf32>,
        %parallel_loop3A_479 = vector.shape_cast %parallel_loop3A_478 : vector<1x16xf32> to vector<16xf32>
        %parallel_loop3A_480 = vector.shape_cast %parallel_loop3A_475 : vector<16xf32> to vector<1x16xf32>
        tpu.vector_store %arg12[%parallel_loop3A_476, %parallel_loop3A_477], %parallel_loop3A_480 {strides = array<i32>} : memref<8x1024xf32, #tpu.memory_space<vmem>>, vector<1x16xf32>,
      } {sc.loop_unroll_factor = 2 : i64, sc.parallel_access}
      %mul3A_390 = arith.constant 8 : i32
      %mul3A_391 = arith.muli %add3A_349, %mul3A_390 : i32
      %add3A_392 = arith.addi %mul3A_2, %mul3A_391 : i32
      %dma_start3A_393 = arith.constant 0 : i32
      %dma_start3A_394 = arith.constant 3 : i32
      %dma_start3A_395 = arith.constant 0 : i32
      %dma_start3A_396 = tpu.memref_slice %arg4[%add3A_392, %dma_start3A_393, %dma_start3A_395] : memref<8192x2x1024xf32, #tpu.memory_space<hbm>> -> memref<8x1x1024xf32, #tpu.memory_space<hbm>>
      %dma_start3A_397 = tpu.memref_squeeze %dma_start3A_396 : memref<8x1x1024xf32, #tpu.memory_space<hbm>> -> memref<8x1024xf32, #tpu.memory_space<hbm>>
      %dma_start3A_398 = tpu.memref_slice %arg20[%dma_start3A_394] : memref<4x!tpu.dma_semaphore, #tpu.memory_space<semaphore_mem>> -> memref<1x!tpu.dma_semaphore, #tpu.memory_space<semaphore_mem>>
      %dma_start3A_399 = tpu.memref_squeeze %dma_start3A_398 : memref<1x!tpu.dma_semaphore, #tpu.memory_space<semaphore_mem>> -> memref<!tpu.dma_semaphore, #tpu.memory_space<semaphore_mem>>
      %dma_start3A_400 = arith.constant 0 : i32
      %dma_start3A_401 = tpu.memref_slice %arg4[%add3A_392, %dma_start3A_393, %dma_start3A_400] : memref<8192x2x1024xf32, #tpu.memory_space<hbm>> -> memref<8x1x1024xf32, #tpu.memory_space<hbm>>
      %dma_start3A_402 = tpu.memref_squeeze %dma_start3A_401 : memref<8x1x1024xf32, #tpu.memory_space<hbm>> -> memref<8x1024xf32, #tpu.memory_space<hbm>>
      tpu.enqueue_dma source(%arg8 : memref<8x1024xf32, #tpu.memory_space<vmem>>) target(%dma_start3A_402 : memref<8x1024xf32, #tpu.memory_space<hbm>>) target_semaphore(%dma_start3A_399 : memref<!tpu.dma_semaphore, #tpu.memory_space<semaphore_mem>>)
      %dma_start3A_403 = arith.constant 1 : i32
      %dma_start3A_404 = arith.constant 3 : i32
      %dma_start3A_405 = arith.constant 0 : i32
      %dma_start3A_406 = tpu.memref_slice %arg4[%add3A_392, %dma_start3A_403, %dma_start3A_405] : memref<8192x2x1024xf32, #tpu.memory_space<hbm>> -> memref<8x1x1024xf32, #tpu.memory_space<hbm>>
      %dma_start3A_407 = tpu.memref_squeeze %dma_start3A_406 : memref<8x1x1024xf32, #tpu.memory_space<hbm>> -> memref<8x1024xf32, #tpu.memory_space<hbm>>
      %dma_start3A_408 = tpu.memref_slice %arg21[%dma_start3A_404] : memref<4x!tpu.dma_semaphore, #tpu.memory_space<semaphore_mem>> -> memref<1x!tpu.dma_semaphore, #tpu.memory_space<semaphore_mem>>
      %dma_start3A_409 = tpu.memref_squeeze %dma_start3A_408 : memref<1x!tpu.dma_semaphore, #tpu.memory_space<semaphore_mem>> -> memref<!tpu.dma_semaphore, #tpu.memory_space<semaphore_mem>>
      %dma_start3A_410 = arith.constant 0 : i32
      %dma_start3A_411 = tpu.memref_slice %arg4[%add3A_392, %dma_start3A_403, %dma_start3A_410] : memref<8192x2x1024xf32, #tpu.memory_space<hbm>> -> memref<8x1x1024xf32, #tpu.memory_space<hbm>>
      %dma_start3A_412 = tpu.memref_squeeze %dma_start3A_411 : memref<8x1x1024xf32, #tpu.memory_space<hbm>> -> memref<8x1024xf32, #tpu.memory_space<hbm>>
      tpu.enqueue_dma source(%arg12 : memref<8x1024xf32, #tpu.memory_space<vmem>>) target(%dma_start3A_412 : memref<8x1024xf32, #tpu.memory_space<hbm>>) target_semaphore(%dma_start3A_409 : memref<!tpu.dma_semaphore, #tpu.memory_space<semaphore_mem>>)
      %scan3A_413 = arith.constant 0 : i32
      scf.yield %scan3A_413 : i32
    }
    %scan3A_65 = arith.constant 8 : i32
    %add3A_66 = arith.constant 224 : i32
    %add3A_67 = arith.addi %mul3A_2, %add3A_66 : i32
    %dma_wait3A = arith.constant 0 : i32
    %dma_wait3A_68 = arith.constant 0 : i32
    %dma_wait3A_69 = arith.constant 0 : i32
    %dma_wait3A_70 = tpu.memref_slice %arg4[%add3A_67, %dma_wait3A, %dma_wait3A_69] : memref<8192x2x1024xf32, #tpu.memory_space<hbm>> -> memref<8x1x1024xf32, #tpu.memory_space<hbm>>
    %dma_wait3A_71 = tpu.memref_squeeze %dma_wait3A_70 : memref<8x1x1024xf32, #tpu.memory_space<hbm>> -> memref<8x1024xf32, #tpu.memory_space<hbm>>
    %dma_wait3A_72 = tpu.memref_slice %arg20[%dma_wait3A_68] : memref<4x!tpu.dma_semaphore, #tpu.memory_space<semaphore_mem>> -> memref<1x!tpu.dma_semaphore, #tpu.memory_space<semaphore_mem>>
    %dma_wait3A_73 = tpu.memref_squeeze %dma_wait3A_72 : memref<1x!tpu.dma_semaphore, #tpu.memory_space<semaphore_mem>> -> memref<!tpu.dma_semaphore, #tpu.memory_space<semaphore_mem>>
    %dma_wait3A_74 = arith.constant 0 : i32
    %dma_wait3A_75 = tpu.memref_slice %arg4[%add3A_67, %dma_wait3A, %dma_wait3A_74] : memref<8192x2x1024xf32, #tpu.memory_space<hbm>> -> memref<8x1x1024xf32, #tpu.memory_space<hbm>>
    %dma_wait3A_76 = tpu.memref_squeeze %dma_wait3A_75 : memref<8x1x1024xf32, #tpu.memory_space<hbm>> -> memref<8x1024xf32, #tpu.memory_space<hbm>>
    tpu.wait_dma2 semaphore(%dma_wait3A_73 : memref<!tpu.dma_semaphore, #tpu.memory_space<semaphore_mem>>) src(%arg5 : memref<8x1024xf32, #tpu.memory_space<vmem>>) dst(%dma_wait3A_76 : memref<8x1024xf32, #tpu.memory_space<hbm>>)
    %dma_wait3A_77 = arith.constant 1 : i32
    %dma_wait3A_78 = arith.constant 0 : i32
    %dma_wait3A_79 = arith.constant 0 : i32
    %dma_wait3A_80 = tpu.memref_slice %arg4[%add3A_67, %dma_wait3A_77, %dma_wait3A_79] : memref<8192x2x1024xf32, #tpu.memory_space<hbm>> -> memref<8x1x1024xf32, #tpu.memory_space<hbm>>
    %dma_wait3A_81 = tpu.memref_squeeze %dma_wait3A_80 : memref<8x1x1024xf32, #tpu.memory_space<hbm>> -> memref<8x1024xf32, #tpu.memory_space<hbm>>
    %dma_wait3A_82 = tpu.memref_slice %arg21[%dma_wait3A_78] : memref<4x!tpu.dma_semaphore, #tpu.memory_space<semaphore_mem>> -> memref<1x!tpu.dma_semaphore, #tpu.memory_space<semaphore_mem>>
    %dma_wait3A_83 = tpu.memref_squeeze %dma_wait3A_82 : memref<1x!tpu.dma_semaphore, #tpu.memory_space<semaphore_mem>> -> memref<!tpu.dma_semaphore, #tpu.memory_space<semaphore_mem>>
    %dma_wait3A_84 = arith.constant 0 : i32
    %dma_wait3A_85 = tpu.memref_slice %arg4[%add3A_67, %dma_wait3A_77, %dma_wait3A_84] : memref<8192x2x1024xf32, #tpu.memory_space<hbm>> -> memref<8x1x1024xf32, #tpu.memory_space<hbm>>
    %dma_wait3A_86 = tpu.memref_squeeze %dma_wait3A_85 : memref<8x1x1024xf32, #tpu.memory_space<hbm>> -> memref<8x1024xf32, #tpu.memory_space<hbm>>
    tpu.wait_dma2 semaphore(%dma_wait3A_83 : memref<!tpu.dma_semaphore, #tpu.memory_space<semaphore_mem>>) src(%arg9 : memref<8x1024xf32, #tpu.memory_space<vmem>>) dst(%dma_wait3A_86 : memref<8x1024xf32, #tpu.memory_space<hbm>>)
    %add3A_87 = arith.constant 232 : i32
    %add3A_88 = arith.addi %mul3A_2, %add3A_87 : i32
    %dma_wait3A_89 = arith.constant 0 : i32
    %dma_wait3A_90 = arith.constant 1 : i32
    %dma_wait3A_91 = arith.constant 0 : i32
    %dma_wait3A_92 = tpu.memref_slice %arg4[%add3A_88, %dma_wait3A_89, %dma_wait3A_91] : memref<8192x2x1024xf32, #tpu.memory_space<hbm>> -> memref<8x1x1024xf32, #tpu.memory_space<hbm>>
    %dma_wait3A_93 = tpu.memref_squeeze %dma_wait3A_92 : memref<8x1x1024xf32, #tpu.memory_space<hbm>> -> memref<8x1024xf32, #tpu.memory_space<hbm>>
    %dma_wait3A_94 = tpu.memref_slice %arg20[%dma_wait3A_90] : memref<4x!tpu.dma_semaphore, #tpu.memory_space<semaphore_mem>> -> memref<1x!tpu.dma_semaphore, #tpu.memory_space<semaphore_mem>>
    %dma_wait3A_95 = tpu.memref_squeeze %dma_wait3A_94 : memref<1x!tpu.dma_semaphore, #tpu.memory_space<semaphore_mem>> -> memref<!tpu.dma_semaphore, #tpu.memory_space<semaphore_mem>>
    %dma_wait3A_96 = arith.constant 0 : i32
    %dma_wait3A_97 = tpu.memref_slice %arg4[%add3A_88, %dma_wait3A_89, %dma_wait3A_96] : memref<8192x2x1024xf32, #tpu.memory_space<hbm>> -> memref<8x1x1024xf32, #tpu.memory_space<hbm>>
    %dma_wait3A_98 = tpu.memref_squeeze %dma_wait3A_97 : memref<8x1x1024xf32, #tpu.memory_space<hbm>> -> memref<8x1024xf32, #tpu.memory_space<hbm>>
    tpu.wait_dma2 semaphore(%dma_wait3A_95 : memref<!tpu.dma_semaphore, #tpu.memory_space<semaphore_mem>>) src(%arg6 : memref<8x1024xf32, #tpu.memory_space<vmem>>) dst(%dma_wait3A_98 : memref<8x1024xf32, #tpu.memory_space<hbm>>)
    %dma_wait3A_99 = arith.constant 1 : i32
    %dma_wait3A_100 = arith.constant 1 : i32
    %dma_wait3A_101 = arith.constant 0 : i32
    %dma_wait3A_102 = tpu.memref_slice %arg4[%add3A_88, %dma_wait3A_99, %dma_wait3A_101] : memref<8192x2x1024xf32, #tpu.memory_space<hbm>> -> memref<8x1x1024xf32, #tpu.memory_space<hbm>>
    %dma_wait3A_103 = tpu.memref_squeeze %dma_wait3A_102 : memref<8x1x1024xf32, #tpu.memory_space<hbm>> -> memref<8x1024xf32, #tpu.memory_space<hbm>>
    %dma_wait3A_104 = tpu.memref_slice %arg21[%dma_wait3A_100] : memref<4x!tpu.dma_semaphore, #tpu.memory_space<semaphore_mem>> -> memref<1x!tpu.dma_semaphore, #tpu.memory_space<semaphore_mem>>
    %dma_wait3A_105 = tpu.memref_squeeze %dma_wait3A_104 : memref<1x!tpu.dma_semaphore, #tpu.memory_space<semaphore_mem>> -> memref<!tpu.dma_semaphore, #tpu.memory_space<semaphore_mem>>
    %dma_wait3A_106 = arith.constant 0 : i32
    %dma_wait3A_107 = tpu.memref_slice %arg4[%add3A_88, %dma_wait3A_99, %dma_wait3A_106] : memref<8192x2x1024xf32, #tpu.memory_space<hbm>> -> memref<8x1x1024xf32, #tpu.memory_space<hbm>>
    %dma_wait3A_108 = tpu.memref_squeeze %dma_wait3A_107 : memref<8x1x1024xf32, #tpu.memory_space<hbm>> -> memref<8x1024xf32, #tpu.memory_space<hbm>>
    tpu.wait_dma2 semaphore(%dma_wait3A_105 : memref<!tpu.dma_semaphore, #tpu.memory_space<semaphore_mem>>) src(%arg10 : memref<8x1024xf32, #tpu.memory_space<vmem>>) dst(%dma_wait3A_108 : memref<8x1024xf32, #tpu.memory_space<hbm>>)
    %add3A_109 = arith.constant 240 : i32
    %add3A_110 = arith.addi %mul3A_2, %add3A_109 : i32
    %dma_wait3A_111 = arith.constant 0 : i32
    %dma_wait3A_112 = arith.constant 2 : i32
    %dma_wait3A_113 = arith.constant 0 : i32
    %dma_wait3A_114 = tpu.memref_slice %arg4[%add3A_110, %dma_wait3A_111, %dma_wait3A_113] : memref<8192x2x1024xf32, #tpu.memory_space<hbm>> -> memref<8x1x1024xf32, #tpu.memory_space<hbm>>
    %dma_wait3A_115 = tpu.memref_squeeze %dma_wait3A_114 : memref<8x1x1024xf32, #tpu.memory_space<hbm>> -> memref<8x1024xf32, #tpu.memory_space<hbm>>
    %dma_wait3A_116 = tpu.memref_slice %arg20[%dma_wait3A_112] : memref<4x!tpu.dma_semaphore, #tpu.memory_space<semaphore_mem>> -> memref<1x!tpu.dma_semaphore, #tpu.memory_space<semaphore_mem>>
    %dma_wait3A_117 = tpu.memref_squeeze %dma_wait3A_116 : memref<1x!tpu.dma_semaphore, #tpu.memory_space<semaphore_mem>> -> memref<!tpu.dma_semaphore, #tpu.memory_space<semaphore_mem>>
    %dma_wait3A_118 = arith.constant 0 : i32
    %dma_wait3A_119 = tpu.memref_slice %arg4[%add3A_110, %dma_wait3A_111, %dma_wait3A_118] : memref<8192x2x1024xf32, #tpu.memory_space<hbm>> -> memref<8x1x1024xf32, #tpu.memory_space<hbm>>
    %dma_wait3A_120 = tpu.memref_squeeze %dma_wait3A_119 : memref<8x1x1024xf32, #tpu.memory_space<hbm>> -> memref<8x1024xf32, #tpu.memory_space<hbm>>
    tpu.wait_dma2 semaphore(%dma_wait3A_117 : memref<!tpu.dma_semaphore, #tpu.memory_space<semaphore_mem>>) src(%arg7 : memref<8x1024xf32, #tpu.memory_space<vmem>>) dst(%dma_wait3A_120 : memref<8x1024xf32, #tpu.memory_space<hbm>>)
    %dma_wait3A_121 = arith.constant 1 : i32
    %dma_wait3A_122 = arith.constant 2 : i32
    %dma_wait3A_123 = arith.constant 0 : i32
    %dma_wait3A_124 = tpu.memref_slice %arg4[%add3A_110, %dma_wait3A_121, %dma_wait3A_123] : memref<8192x2x1024xf32, #tpu.memory_space<hbm>> -> memref<8x1x1024xf32, #tpu.memory_space<hbm>>
    %dma_wait3A_125 = tpu.memref_squeeze %dma_wait3A_124 : memref<8x1x1024xf32, #tpu.memory_space<hbm>> -> memref<8x1024xf32, #tpu.memory_space<hbm>>
    %dma_wait3A_126 = tpu.memref_slice %arg21[%dma_wait3A_122] : memref<4x!tpu.dma_semaphore, #tpu.memory_space<semaphore_mem>> -> memref<1x!tpu.dma_semaphore, #tpu.memory_space<semaphore_mem>>
    %dma_wait3A_127 = tpu.memref_squeeze %dma_wait3A_126 : memref<1x!tpu.dma_semaphore, #tpu.memory_space<semaphore_mem>> -> memref<!tpu.dma_semaphore, #tpu.memory_space<semaphore_mem>>
    %dma_wait3A_128 = arith.constant 0 : i32
    %dma_wait3A_129 = tpu.memref_slice %arg4[%add3A_110, %dma_wait3A_121, %dma_wait3A_128] : memref<8192x2x1024xf32, #tpu.memory_space<hbm>> -> memref<8x1x1024xf32, #tpu.memory_space<hbm>>
    %dma_wait3A_130 = tpu.memref_squeeze %dma_wait3A_129 : memref<8x1x1024xf32, #tpu.memory_space<hbm>> -> memref<8x1024xf32, #tpu.memory_space<hbm>>
    tpu.wait_dma2 semaphore(%dma_wait3A_127 : memref<!tpu.dma_semaphore, #tpu.memory_space<semaphore_mem>>) src(%arg11 : memref<8x1024xf32, #tpu.memory_space<vmem>>) dst(%dma_wait3A_130 : memref<8x1024xf32, #tpu.memory_space<hbm>>)
    %add3A_131 = arith.constant 248 : i32
    %add3A_132 = arith.addi %mul3A_2, %add3A_131 : i32
    %dma_wait3A_133 = arith.constant 0 : i32
    %dma_wait3A_134 = arith.constant 3 : i32
    %dma_wait3A_135 = arith.constant 0 : i32
    %dma_wait3A_136 = tpu.memref_slice %arg4[%add3A_132, %dma_wait3A_133, %dma_wait3A_135] : memref<8192x2x1024xf32, #tpu.memory_space<hbm>> -> memref<8x1x1024xf32, #tpu.memory_space<hbm>>
    %dma_wait3A_137 = tpu.memref_squeeze %dma_wait3A_136 : memref<8x1x1024xf32, #tpu.memory_space<hbm>> -> memref<8x1024xf32, #tpu.memory_space<hbm>>
    %dma_wait3A_138 = tpu.memref_slice %arg20[%dma_wait3A_134] : memref<4x!tpu.dma_semaphore, #tpu.memory_space<semaphore_mem>> -> memref<1x!tpu.dma_semaphore, #tpu.memory_space<semaphore_mem>>
    %dma_wait3A_139 = tpu.memref_squeeze %dma_wait3A_138 : memref<1x!tpu.dma_semaphore, #tpu.memory_space<semaphore_mem>> -> memref<!tpu.dma_semaphore, #tpu.memory_space<semaphore_mem>>
    %dma_wait3A_140 = arith.constant 0 : i32
    %dma_wait3A_141 = tpu.memref_slice %arg4[%add3A_132, %dma_wait3A_133, %dma_wait3A_140] : memref<8192x2x1024xf32, #tpu.memory_space<hbm>> -> memref<8x1x1024xf32, #tpu.memory_space<hbm>>
    %dma_wait3A_142 = tpu.memref_squeeze %dma_wait3A_141 : memref<8x1x1024xf32, #tpu.memory_space<hbm>> -> memref<8x1024xf32, #tpu.memory_space<hbm>>
    tpu.wait_dma2 semaphore(%dma_wait3A_139 : memref<!tpu.dma_semaphore, #tpu.memory_space<semaphore_mem>>) src(%arg8 : memref<8x1024xf32, #tpu.memory_space<vmem>>) dst(%dma_wait3A_142 : memref<8x1024xf32, #tpu.memory_space<hbm>>)
    %dma_wait3A_143 = arith.constant 1 : i32
    %dma_wait3A_144 = arith.constant 3 : i32
    %dma_wait3A_145 = arith.constant 0 : i32
    %dma_wait3A_146 = tpu.memref_slice %arg4[%add3A_132, %dma_wait3A_143, %dma_wait3A_145] : memref<8192x2x1024xf32, #tpu.memory_space<hbm>> -> memref<8x1x1024xf32, #tpu.memory_space<hbm>>
    %dma_wait3A_147 = tpu.memref_squeeze %dma_wait3A_146 : memref<8x1x1024xf32, #tpu.memory_space<hbm>> -> memref<8x1024xf32, #tpu.memory_space<hbm>>
    %dma_wait3A_148 = tpu.memref_slice %arg21[%dma_wait3A_144] : memref<4x!tpu.dma_semaphore, #tpu.memory_space<semaphore_mem>> -> memref<1x!tpu.dma_semaphore, #tpu.memory_space<semaphore_mem>>
    %dma_wait3A_149 = tpu.memref_squeeze %dma_wait3A_148 : memref<1x!tpu.dma_semaphore, #tpu.memory_space<semaphore_mem>> -> memref<!tpu.dma_semaphore, #tpu.memory_space<semaphore_mem>>
    %dma_wait3A_150 = arith.constant 0 : i32
    %dma_wait3A_151 = tpu.memref_slice %arg4[%add3A_132, %dma_wait3A_143, %dma_wait3A_150] : memref<8192x2x1024xf32, #tpu.memory_space<hbm>> -> memref<8x1x1024xf32, #tpu.memory_space<hbm>>
    %dma_wait3A_152 = tpu.memref_squeeze %dma_wait3A_151 : memref<8x1x1024xf32, #tpu.memory_space<hbm>> -> memref<8x1024xf32, #tpu.memory_space<hbm>>
    tpu.wait_dma2 semaphore(%dma_wait3A_149 : memref<!tpu.dma_semaphore, #tpu.memory_space<semaphore_mem>>) src(%arg12 : memref<8x1024xf32, #tpu.memory_space<vmem>>) dst(%dma_wait3A_152 : memref<8x1024xf32, #tpu.memory_space<hbm>>)
    return
  }
}

</mosaic_0001>

<sc_bundles>
// kernel: kernel.3.cloned.1.call-start
scs
__scs_entry_jumppad:
0x0: {  	(pc) =	sbr.rel $0x88, $3  }
0x1: {  	(tag) =	ssettag $0x0;
	lr =	simm.s32 $0x1  }
0x2: {  	[smem:$0x3F9F] =	sst lr;
	_ =	strace $0xD0000000  }
0x3: {  	_ = 	snop  }
0x4: {  	_ = 	snop  }
0x5: {  	_ = 	snop  }
0x6: {  	_ = 	snop  }
0x7: {  	_ = 	snop  }
__scs_overlays_trampoline_lowered:
0x8: {  	[smem:$0x3FAE] =	sst s0  }
0x9: {  	[smem:$0x3FAF] =	sst s1  }
0xa: {  	[smem:$0x3FB0] =	sst s2  }
0xb: {  	[smem:$0x3FB1] =	sst s3  }
0xc: {  	[smem:$0x3FB2] =	sst s4  }
0xd: {  	[smem:$0x3FB3] =	sst s5  }
0xe: {  	[smem:$0x3FB4] =	sst s6  }
0xf: {  	[smem:$0x3FB5] =	sst s7  }
0x10: {  	[smem:$0x3FB6] =	sst s8  }
0x11: {  	[smem:$0x3FB7] =	sst s9;
	s0 =	simm.s32 @!p0 $0x0  }
0x12: {  	s1 =	sld [smem:$0x3F9D];
	s0 =	simm.s32 @p0 $0x1  }
0x13: {  	[smem:$0x3FB8] =	sst s0;
	s0 =	simm.s32 @!p1 $0x0  }
0x14: {  	s2 =	sld [smem:$0x3F9C];
	s0 =	simm.s32 @p1 $0x1  }
0x15: {  	[smem:$0x3FB9] =	sst s0;
	s0 =	simm.s32 @!p2 $0x0  }
0x16: {  	s3 =	sld [smem:$0x3FDB];
	s0 =	simm.s32 @p2 $0x1  }
0x17: {  	s4 =	simm.s32 $0x1BF5;
	[smem:$0x3FBB] =	sst s0  }
0x18: {  	s0 =	sld [smem:$0x3F9E];
	_ =	swait.ge [sflag:s4], $0x0  }
0x19: {  	s7 =	sld [smem:$0x3F9F]  }
0x1a: {  	s8 =	sadd.s32 $0xFFFFE003, lr  }
0x1b: {  	s9 =	sadd.s32 $0xFFFFFEF7, lr;
	s5 =	simm.s32 $0xFFFFFFFF;
	p2 =	slt.u32 s8, $0xFFFFF086  }
0x1c: {  	p1 =	slt.u32 s9, $0xF7A;
	s5 =	simm.s32 @!p2 $0x0  }
0x1d: {  	s5 =	simm.s32 @p1 $0x1;
	p0 =	seq.s32 s7, s2  }
0x1e: {  	s7 =	smul.u32 @!p0 $0xF7A, s2;
	p2 =	seq.s32 @!p0 s5, $0x0  }
0x1f: {  	s9 =	smul.u32 $0xF7A, s1;
	s8 =	simm.s32 @!p0 $0x1BF5;
	p2 =	por !p2, p0  }
0x20: {  	[sflag:s8] =	ssyncset.s32 @!p0 $0xFFFFF086;
	s6 =	sadd.s32 @!p0 s3, s7;
	s7 =	simm.s32 @!p0 $0x108  }
0x21: {  	s3 =	sadd.s32 s3, s9;
	s6 =	sadd.s32 @!p0 $0x88, s6;
	s7 =	simm.s32 @p2 $0x1082  }
0x22: {  	[simem:s7], [sflag:s8] =	dma.local @!p0 [hbm:s6], $0xF7A  }
0x23: {  	s9 =	sor.u32 $0xD0000000, s2;
	s6 =	simm.s32 $0x108;
	_ =	swait.ge @!p0 [sflag:s8], $0x0  }
0x24: {  	s3 =	sadd.s32 $0x88, s3;
	s6 =	simm.s32 @!p1 $0x1082;
	[sflag:s4] =	ssyncset.s32 $0xFFFFF086  }
0x25: {  	[simem:s6], [sflag:s4] =	dma.local [hbm:s3], $0xF7A  }
0x26: {  	[smem:$0x3F9F] =	sst s1;
	(tag) =	ssettag s2;
	_ =	strace s9  }
0x27: {  	s1 =	sld [smem:$0x3FAF]  }
0x28: {  	s2 =	sld [smem:$0x3FB0]  }
0x29: {  	s4 =	sld [smem:$0x3FB2]  }
0x2a: {  	p0 =	seq.s32 s5, $0x0;
	s5 =	sld [smem:$0x3FB3]  }
0x2b: {  	s6 =	sld [smem:$0x3FB4]  }
0x2c: {  	s7 =	sld [smem:$0x3FB5]  }
0x2d: {  	s3 =	simm.s32 $0x108;
	s8 =	sld [smem:$0x3FB6]  }
0x2e: {  	s3 =	simm.s32 @!p0 $0x1082;
	s9 =	sld [smem:$0x3FB7]  }
0x2f: {  	lr =	sadd.s32 s0, s3;
	s0 =	sld [smem:$0x3FAE]  }
0x30: {  	s3 =	sld [smem:$0x3FB1]  }
0x31: {  	[smem:$0x3FBA] =	sst s10  }
0x32: {  	s10 =	sld [smem:$0x3FB8];
	_ =	sdelay $0x3  }
0x33: {  	p0 =	seq.s32 s10, $0x1;
	s10 =	sld [smem:$0x3FBA];
	_ =	sdelay $0x3  }
0x34: {  	[smem:$0x3FBA] =	sst s10  }
0x35: {  	s10 =	sld [smem:$0x3FB9];
	_ =	sdelay $0x3  }
0x36: {  	p1 =	seq.s32 s10, $0x1;
	s10 =	sld [smem:$0x3FBA];
	_ =	sdelay $0x3  }
0x37: {  	[smem:$0x3FBA] =	sst s10  }
0x38: {  	s10 =	sld [smem:$0x3FBB]  }
0x39: {  	_ = 	snop;
	(pc) =	sbr.ind lr, $3  }
0x3a: {  	_ = 	snop  }
0x3b: {  	_ = 	snop  }
0x3c: {  	p2 =	seq.s32 s10, $0x1;
	s10 =	sld [smem:$0x3FBA]  }
0x3d: {  	_ =	shalt  }
0x3e: {  	_ =	shalt  }
0x3f: {  	_ =	shalt  }
0x40: {  	_ =	shalt  }
0x41: {  	_ =	shalt  }
0x42: {  	_ =	shalt  }
0x43: {  	_ =	shalt  }
0x44: {  	_ =	shalt  }
0x45: {  	_ =	shalt  }
0x46: {  	_ =	shalt  }
0x47: {  	_ =	shalt  }
0x48: {  	_ =	shalt  }
0x49: {  	_ =	shalt  }
0x4a: {  	_ =	shalt  }
0x4b: {  	_ =	shalt  }
0x4c: {  	_ =	shalt  }
0x4d: {  	_ =	shalt  }
0x4e: {  	_ =	shalt  }
0x4f: {  	_ =	shalt  }
0x50: {  	_ =	shalt  }
0x51: {  	_ =	shalt  }
0x52: {  	_ =	shalt  }
0x53: {  	_ =	shalt  }
0x54: {  	_ =	shalt  }
0x55: {  	_ =	shalt  }
0x56: {  	_ =	shalt  }
0x57: {  	_ =	shalt  }
0x58: {  	_ =	shalt  }
0x59: {  	_ =	shalt  }
0x5a: {  	_ =	shalt  }
0x5b: {  	_ =	shalt  }
0x5c: {  	_ =	shalt  }
0x5d: {  	_ =	shalt  }
0x5e: {  	_ =	shalt  }
0x5f: {  	_ =	shalt  }
0x60: {  	_ =	shalt  }
0x61: {  	_ =	shalt  }
0x62: {  	_ =	shalt  }
0x63: {  	_ =	shalt  }
0x64: {  	_ =	shalt  }
0x65: {  	_ =	shalt  }
0x66: {  	_ =	shalt  }
0x67: {  	_ =	shalt  }
0x68: {  	_ =	shalt  }
0x69: {  	_ =	shalt  }
0x6a: {  	_ =	shalt  }
0x6b: {  	_ =	shalt  }
0x6c: {  	_ =	shalt  }
0x6d: {  	_ =	shalt  }
0x6e: {  	_ =	shalt  }
0x6f: {  	_ =	shalt  }
0x70: {  	_ =	shalt  }
0x71: {  	_ =	shalt  }
0x72: {  	_ =	shalt  }
0x73: {  	_ =	shalt  }
0x74: {  	_ =	shalt  }
0x75: {  	_ =	shalt  }
0x76: {  	_ =	shalt  }
0x77: {  	_ =	shalt  }
0x78: {  	_ =	shalt  }
0x79: {  	_ =	shalt  }
0x7a: {  	_ =	shalt  }
0x7b: {  	_ =	shalt  }
0x7c: {  	_ =	shalt  }
0x7d: {  	_ =	shalt  }
0x7e: {  	_ =	shalt  }
0x7f: {  	_ =	shalt  }
0x80: {  	_ =	shalt  }
0x81: {  	_ =	shalt  }
0x82: {  	_ =	shalt  }
0x83: {  	_ =	shalt  }
0x84: {  	_ =	shalt  }
0x85: {  	_ =	shalt  }
0x86: {  	_ =	shalt  }
0x87: {  	_ =	shalt  }
.Lfunc_end0:
.L_simem_size_0:
called_computation_lowered:
.L_overlay_start_0:
0x88: {  	s2 =	sld [smem:$0x3FD9]  }
0x89: {  	s3 =	sld [smem:$0x3FFE];
	_ =	sdelay $0x1  }
0x8a: {  	s1 =	srdreg.scid  }
0x8b: {  	s0 =	sand.u32 $0x1, s1  }
0x8c: {  	s18 =	sshll.u32 s0, $0xA;
	s2 =	sadd.s32 s3, s2  }
0x8d: {  	s2 =	sadd.s32 s2, s18  }
0x8e: {  	[smem:$0x3FC6] =	sst s2  }
0x8f: {  	_ = 	snop  }
0x90: {  	s2 =	sld [smem:$0x3FC9]  }
0x91: {  	s19 =	sld [smem:$0x3FC8]  }
0x92: {  	s4 =	sld [smem:$0x3FD0];
	(tm) =	ssettm $0x1  }
0x93: {  	s5 =	sld [smem:$0x3FFB];
	_ =	sdelay $0x3  }
0x94: {  	_ =	strace s5  }
0x95: {  	s5 =	sld [smem:$0x3FFC];
	_ =	sdelay $0x3  }
0x96: {  	_ =	strace s5  }
0x97: {  	s5 =	sld [smem:$0x3FFD];
	_ =	sdelay $0x3  }
0x98: {  	_ =	strace s5  }
0x99: {  	_ =	strace $0x8FFFFFFF  }
0x9a: {  	s20 =	sld [smem:$0x3FDB];
	_ =	sdelay $0x1  }
0x9b: {  	s6 =	simm.s32 $_scs_section_size  }
0x9c: {  	s7 =	simm.s32 $_size__tile_overlayer_lowered;
	s8 =	simm.s32 $_tile_overlayer_lowered  }
0x9d: {  	s23 =	simm.s32 $0x1BFF;
	s22 =	sshll.u32 s8, $0x1;
	s5 =	sadd.s32 s6, s20  }
0x9e: {  	s9 =	simm.s32 $0x0;
	s21 =	sshll.u32 s7, $0x1;
	s7 =	sadd.s32 s22, s5  }
0x9f: {  	[timem:s9], [sflag:s23] =	dma.local [hbm:s7], s21  }
0xa0: {  	_ =	swait.ge [sflag:s23], s21  }
0xa1: {  	s6 =	ssub.s32 $0x0, s21;
	[sflag:s23] =	ssyncset.done $0x0  }
0xa2: {  	[sflag:s23] =	ssyncadd.s32 s6;
	_ =	sdelay $0x1  }
0xa3: {  	s24 =	simm.s32 $0x1B8B  }
0xa4: {  	_ =	swait.ge [sflag:s24], $0x1  }
0xa5: {  	[sflag:s24] =	ssyncset.done $0x0  }
0xa6: {  	s25 =	simm.s32 $0x1B8E;
	[sflag:s24] =	ssyncadd.s32 $0xFFFFFFFF  }
0xa7: {  	s26 =	simm.s32 $execute0_lowered;
	[smem:$0x3FD2] =	sst s25  }
0xa8: {  	s6 =	sshll.u32 s26, $0x1;
	_ =	strace $0x80000046;
	[dreg:$0x1] =	wrdreg $0xFFFFFFFF  }
0xa9: {  	s28 =	simm.s32 $_size_execute0_lowered;
	s5 =	sadd.s32 s5, s6;
	[dreg:$0x0] =	wrdreg $0x0  }
0xaa: {  	s6 =	sshll.u32 s28, $0x1;
	[dreg:$0x2] =	wrdreg s5  }
0xab: {  	[dreg:$0x3] =	wrdreg s6  }
0xac: {  	[dreg:$0x4] =	wrdreg $0xC0  }
0xad: {  	_ =	task [dreg:s9], $0x5FFFF  }
0xae: {  	[dreg:$0x1] =	wrdreg $0xFFFFFFFF  }
0xaf: {  	[dreg:$0x0] =	wrdreg $0x60  }
0xb0: {  	[dreg:$0x2] =	wrdreg s2  }
0xb1: {  	[dreg:$0x3] =	wrdreg s19  }
0xb2: {  	[dreg:$0x4] =	wrdreg s4  }
0xb3: {  	[dreg:$0x5] =	wrdreg $0x9  }
0xb4: {  	_ =	task.clear_ibuf [dreg:s9], $0x6FFFF;
	_ =	strace $0x90000046  }
0xb5: {  	s29 =	simm.s32 $0x9;
	_ =	strace $0x80000048  }
0xb6: {  	_ =	swait.ge [sflag:s29], $0x1  }
0xb7: {  	[sflag:s29] =	ssyncadd.s32 $0xFFFFFFFF  }
0xb8: {  	_ =	strace $0x90000048  }
0xb9: {  	_ =	sfence  }
0xba: {  	s30 =	sld [smem:$0x0];
	_ =	sdelay $0x2  }
0xbb: {  	s31 =	sshll.u32 s1, $0xD;
	s1 =	sshrl.u32 s1, $0x2  }
0xbc: {  	s3 =	sand.u32 $0x4000, s31;
	s1 =	sadd.s32 s1, s30  }
0xbd: {  	s0 =	sor.u32 s3, s0;
	s1 =	sshll.u32 s1, $0x11  }
0xbe: {  	s0 =	sor.u32 s1, s0  }
0xbf: {  	s0 =	sadd.s32 $0x8F2B, s0  }
0xc0: {  	[sflag:s0] =	ssyncadd.remote.s32 $0x1  }
0xc1: {  	_ =	sfence.sel $0xFFFF  }
0xc2: {  	[dreg:$0x0] =	wrdreg $0xFFFFFFFF;
	(pc) =	sbr.abs _section_cstart, $3  }
0xc3: {  	[dreg:$0x1] =	wrdreg $0xFFFFFFFF  }
0xc4: {  	_ =	task.clear_ibuf [dreg:s9], $0x2FFFF;
	_ =	strace $0x9FFFFFFF  }
0xc5: {  	(tm) =	ssettm $0x7FFFFFFF  }
tec
execute0_lowered:
.L_overlay_start_1:
0x0: {  	(tag) =	ssettag $0x1  }
0x1: {  	s1 =	rddreg [dreg:$0x0]  }
0x2: {  	s3 =	rddreg [dreg:$0x1]  }
0x3: {  	s0 =	srdreg.scid;
	s2 =	stileid.u32  }
0x4: {  	s4 =	rddreg [dreg:$0x2];
	s0 =	sand.u32 $0x1, s0;
	s2 =	sshll.u32 s2, $0x1  }
0x5: {  	s5 =	simm.s32 $0x0;
	s11 =	ssub.s32 $0x2, s0;
	s0 =	sor.u32 s0, s2  }
0x6: {  	[smem:$0x7FF] =	sst s5;
	s13 =	sshll.u32 s0, $0xF  }
0x7: {  	s8 =	sadd.s32 $0x10, s1;
	s6 =	sshll.u32 s0, $0x8;
	s5 =	sadd.s32 s3, s13  }
0x8: {  	_ =	strace $0x80000047;
	s16 =	sor.u32 $0x20, s6;
	[dreg:$0x6] =	wrdreg s5  }
0x9: {  	s7 =	sshll.u32 s0, $0x10;
	s17 =	sor.u32 $0x28, s6;
	[dreg:$0xa] =	wrdreg s16  }
0xa: {  	s12 =	sshrl.u32 s11, $0x1;
	s10 =	sadd.s32 s1, s7;
	[dreg:$0xb] =	wrdreg s17  }
0xb: {  	s2 =	ssub.s32 s11, s12;
	s7 =	sadd.s32 s7, s8;
	[dreg:$0x4] =	wrdreg s10  }
0xc: {  	s18 =	smax.u32 s2, $0x1;
	[dreg:$0x5] =	wrdreg s7  }
0xd: {  	s19 =	sadd.s32 $0x20, s10;
	[dreg:$0xc] =	wrdreg s18  }
0xe: {  	s20 =	sadd.s32 $0x40, s10;
	[dreg:$0xd] =	wrdreg s19  }
0xf: {  	s21 =	sadd.s32 $0x60, s10;
	[dreg:$0xe] =	wrdreg s20  }
0x10: {  	s22 =	sadd.s32 $0x80, s10;
	[dreg:$0xf] =	wrdreg s21  }
0x11: {  	s23 =	sadd.s32 $0xA0, s10;
	[dreg:$0x10] =	wrdreg s22  }
0x12: {  	s24 =	sadd.s32 $0xC0, s10;
	[dreg:$0x11] =	wrdreg s23  }
0x13: {  	s25 =	sadd.s32 $0xE0, s10;
	[dreg:$0x12] =	wrdreg s24  }
0x14: {  	s26 =	sadd.s32 $0x20, s7;
	[dreg:$0x13] =	wrdreg s25  }
0x15: {  	s29 =	sadd.s32 $0x40, s7;
	[dreg:$0x14] =	wrdreg s26  }
0x16: {  	s9 =	sor.u32 $0x8, s6;
	s30 =	sadd.s32 $0x60, s7;
	[dreg:$0x15] =	wrdreg s29  }
0x17: {  	s14 =	sshll.u32 s9, $0x8;
	s2 =	sadd.s32 $0x80, s7;
	[dreg:$0x16] =	wrdreg s30  }
0x18: {  	s15 =	sshll.u32 s9, $0x7;
	s9 =	sadd.s32 $0xC0, s7;
	[dreg:$0x17] =	wrdreg s2  }
0x19: {  	s10 =	sadd.s32 $0xE0, s7;
	[dreg:$0x19] =	wrdreg s9  }
0x1a: {  	s5 =	sadd.s32 s3, s15;
	[dreg:$0x1a] =	wrdreg s10  }
0x1b: {  	s11 =	sadd.s32 s1, s14;
	[dreg:$0x9] =	wrdreg s5  }
0x1c: {  	s12 =	sadd.s32 s14, s8;
	[dreg:$0x7] =	wrdreg s11  }
0x1d: {  	s5 =	sadd.s32 $0xA0, s7;
	[dreg:$0x8] =	wrdreg s12  }
0x1e: {  	s13 =	sadd.s32 $0x20, s11;
	[dreg:$0x18] =	wrdreg s5  }
0x1f: {  	s16 =	sadd.s32 $0x40, s11;
	[dreg:$0x1b] =	wrdreg s13  }
0x20: {  	s17 =	sadd.s32 $0x60, s11;
	[dreg:$0x1c] =	wrdreg s16  }
0x21: {  	s18 =	sadd.s32 $0x80, s11;
	[dreg:$0x1d] =	wrdreg s17  }
0x22: {  	s19 =	sadd.s32 $0xA0, s11;
	[dreg:$0x1e] =	wrdreg s18  }
0x23: {  	s20 =	sadd.s32 $0xC0, s11;
	[dreg:$0x1f] =	wrdreg s19  }
0x24: {  	s21 =	sadd.s32 $0xE0, s11;
	[smem:$0x7F5] =	sst s20  }
0x25: {  	s22 =	sadd.s32 $0x20, s12;
	[smem:$0x7F6] =	sst s21  }
0x26: {  	s23 =	sadd.s32 $0x40, s12;
	[smem:$0x7F7] =	sst s22  }
0x27: {  	s31 =	simm.s32 $0x80;
	s24 =	sadd.s32 $0x60, s12;
	[smem:$0x7F8] =	sst s23  }
0x28: {  	s28 =	simm.s32 $0xC;
	s25 =	sadd.s32 $0x80, s12;
	[smem:$0x7F9] =	sst s24  }
0x29: {  	s14 =	sshll.u32 s0, $0x13;
	s26 =	sadd.s32 $0xA0, s12;
	[smem:$0x7FA] =	sst s25  }
0x2a: {  	s15 =	sadd.s32 $0x10, s4;
	s29 =	sadd.s32 $0xC0, s12;
	[smem:$0x7FB] =	sst s26  }
0x2b: {  	s0 =	simm.s32 $0x800;
	s30 =	sadd.s32 $0xE0, s12;
	[smem:$0x7FC] =	sst s29  }
0x2c: {  	s7 =	simm.s32 $0x0;
	[smem:$0x7FD] =	sst s30;
	s21 =	simm.s32 $0x4000  }
0x2d: {  	s22 =	simm.s32 $0x4400;
	s13 =	simm.s32 $0x2;
	s18 =	simm.s32 $0x6  }
0x2e: {  	s19 =	simm.s32 $0xA;
	s23 =	simm.s32 $0x3;
	s24 =	simm.s32 $0x7  }
0x2f: {  	s16 =	simm.s32 $0xB;
	s25 =	simm.s32 $0x4;
	s26 =	simm.s32 $0x8  }
.LBB2_1:
0x30: {  	[smem:$0x7F4] =	sst s7  }
0x31: {  	s5 =	rddreg [dreg:$0x4]  }
0x32: {  	s2 =	simm.s32 $0x0;
	s20 =	rddreg [dreg:$0xd]  }
0x33: {  	[tilespmem:s2], [sflag:$0x1] =	stream.strided.gather [hbm4b:s5+s31], $0x400, s0, s31, $0x38;
	[tilespmem:$0x18000] =	vst v63  }
0x34: {  	s30 =	simm.s32 $0x400;
	s9 =	rddreg [dreg:$0xe]  }
0x35: {  	[tilespmem:s30], [sflag:$0x1] =	stream.strided.gather [hbm4b:s20+s31], $0x400, s0, s31, $0x38;
	[tilespmem:$0x18000] =	vst v63  }
0x36: {  	s10 =	rddreg [dreg:$0xf]  }
0x37: {  	[tilespmem:s0], [sflag:$0x1] =	stream.strided.gather [hbm4b:s9+s31], $0x400, s0, s31, $0x38;
	[tilespmem:$0x18000] =	vst v63  }
0x38: {  	s11 =	simm.s32 $0xC00;
	s12 =	rddreg [dreg:$0x10]  }
0x39: {  	[tilespmem:s11], [sflag:$0x1] =	stream.strided.gather [hbm4b:s10+s31], $0x400, s0, s31, $0x38;
	[tilespmem:$0x18000] =	vst v63  }
0x3a: {  	s17 =	simm.s32 $0x1000;
	s7 =	rddreg [dreg:$0x12]  }
0x3b: {  	[tilespmem:s17], [sflag:$0x1] =	stream.strided.gather [hbm4b:s12+s31], $0x400, s0, s31, $0x38;
	[tilespmem:$0x18000] =	vst v63  }
0x3c: {  	s20 =	rddreg [dreg:$0x11];
	s30 =	simm.s32 $0x1400  }
0x3d: {  	[tilespmem:s30], [sflag:$0x1] =	stream.strided.gather [hbm4b:s20+s31], $0x400, s0, s31, $0x38;
	[tilespmem:$0x18000] =	vst v63  }
0x3e: {  	s9 =	simm.s32 $0x1800;
	s10 =	rddreg [dreg:$0x13]  }
0x3f: {  	[tilespmem:s9], [sflag:$0x1] =	stream.strided.gather [hbm4b:s7+s31], $0x400, s0, s31, $0x38;
	[tilespmem:$0x18000] =	vst v63  }
0x40: {  	s11 =	simm.s32 $0x1C00;
	s12 =	rddreg [dreg:$0x5]  }
0x41: {  	[tilespmem:s11], [sflag:$0x1] =	stream.strided.gather [hbm4b:s10+s31], $0x400, s0, s31, $0x38;
	[tilespmem:$0x18000] =	vst v63  }
0x42: {  	s17 =	simm.s32 $0x8000;
	s20 =	rddreg [dreg:$0x14]  }
0x43: {  	[tilespmem:s17], [sflag:$0x5] =	stream.strided.gather [hbm4b:s12+s31], $0x400, s0, s31, $0x38;
	[tilespmem:$0x18000] =	vst v63  }
0x44: {  	s30 =	simm.s32 $0x8400;
	s7 =	rddreg [dreg:$0x15]  }
0x45: {  	[tilespmem:s30], [sflag:$0x5] =	stream.strided.gather [hbm4b:s20+s31], $0x400, s0, s31, $0x38;
	[tilespmem:$0x18000] =	vst v63  }
0x46: {  	s9 =	simm.s32 $0x8800;
	s10 =	rddreg [dreg:$0x16]  }
0x47: {  	[tilespmem:s9], [sflag:$0x5] =	stream.strided.gather [hbm4b:s7+s31], $0x400, s0, s31, $0x38;
	[tilespmem:$0x18000] =	vst v63  }
0x48: {  	s11 =	simm.s32 $0x8C00;
	s12 =	rddreg [dreg:$0x17]  }
0x49: {  	[tilespmem:s11], [sflag:$0x5] =	stream.strided.gather [hbm4b:s10+s31], $0x400, s0, s31, $0x38;
	[tilespmem:$0x18000] =	vst v63  }
0x4a: {  	s17 =	simm.s32 $0x9000;
	s20 =	rddreg [dreg:$0x18]  }
0x4b: {  	[tilespmem:s17], [sflag:$0x5] =	stream.strided.gather [hbm4b:s12+s31], $0x400, s0, s31, $0x38;
	[tilespmem:$0x18000] =	vst v63  }
0x4c: {  	s30 =	simm.s32 $0x9400;
	s7 =	rddreg [dreg:$0x19]  }
0x4d: {  	[tilespmem:s30], [sflag:$0x5] =	stream.strided.gather [hbm4b:s20+s31], $0x400, s0, s31, $0x38;
	[tilespmem:$0x18000] =	vst v63  }
0x4e: {  	s9 =	simm.s32 $0x9800;
	s10 =	rddreg [dreg:$0x1a]  }
0x4f: {  	[tilespmem:s9], [sflag:$0x5] =	stream.strided.gather [hbm4b:s7+s31], $0x400, s0, s31, $0x38;
	[tilespmem:$0x18000] =	vst v63  }
0x50: {  	s11 =	simm.s32 $0x9C00;
	s12 =	rddreg [dreg:$0x6]  }
0x51: {  	[tilespmem:s11], [sflag:$0x5] =	stream.strided.gather [hbm4b:s10+s31], $0x400, s0, s31, $0x38;
	[tilespmem:$0x18000] =	vst v63  }
0x52: {  	s17 =	simm.s32 $0x10000;
	s20 =	rddreg [dreg:$0x7]  }
0x53: {  	[tilespmem:s17], [sflag:$0x9] =	stream.linear.gather [hbm4b:s12+s2], $0x2000, $0x38;
	[tilespmem:$0x18000] =	vst v63  }
0x54: {  	s30 =	simm.s32 $0x2000;
	s7 =	rddreg [dreg:$0x1b]  }
0x55: {  	[tilespmem:s30], [sflag:$0x2] =	stream.strided.gather [hbm4b:s20+s31], $0x400, s0, s31, $0x38;
	[tilespmem:$0x18000] =	vst v63  }
0x56: {  	s9 =	simm.s32 $0x2400;
	s10 =	rddreg [dreg:$0x1c]  }
0x57: {  	[tilespmem:s9], [sflag:$0x2] =	stream.strided.gather [hbm4b:s7+s31], $0x400, s0, s31, $0x38;
	[tilespmem:$0x18000] =	vst v63  }
0x58: {  	s11 =	simm.s32 $0x2800;
	s12 =	rddreg [dreg:$0x1d]  }
0x59: {  	[tilespmem:s11], [sflag:$0x2] =	stream.strided.gather [hbm4b:s10+s31], $0x400, s0, s31, $0x38;
	[tilespmem:$0x18000] =	vst v63  }
0x5a: {  	s17 =	simm.s32 $0x2C00;
	s20 =	rddreg [dreg:$0x1e]  }
0x5b: {  	[tilespmem:s17], [sflag:$0x2] =	stream.strided.gather [hbm4b:s12+s31], $0x400, s0, s31, $0x38;
	[tilespmem:$0x18000] =	vst v63  }
0x5c: {  	s30 =	simm.s32 $0x3000;
	s7 =	rddreg [dreg:$0x1f]  }
0x5d: {  	[tilespmem:s30], [sflag:$0x2] =	stream.strided.gather [hbm4b:s20+s31], $0x400, s0, s31, $0x38;
	[tilespmem:$0x18000] =	vst v63  }
0x5e: {  	s9 =	simm.s32 $0x3400;
	s10 =	sld [smem:$0x7F5]  }
0x5f: {  	[tilespmem:s9], [sflag:$0x2] =	stream.strided.gather [hbm4b:s7+s31], $0x400, s0, s31, $0x38;
	[tilespmem:$0x18000] =	vst v63  }
0x60: {  	s11 =	simm.s32 $0x3800;
	s12 =	sld [smem:$0x7F6]  }
0x61: {  	[tilespmem:s11], [sflag:$0x2] =	stream.strided.gather [hbm4b:s10+s31], $0x400, s0, s31, $0x38;
	[tilespmem:$0x18000] =	vst v63  }
0x62: {  	s17 =	simm.s32 $0x3C00;
	s20 =	rddreg [dreg:$0x8]  }
0x63: {  	[tilespmem:s17], [sflag:$0x2] =	stream.strided.gather [hbm4b:s12+s31], $0x400, s0, s31, $0x38;
	[tilespmem:$0x18000] =	vst v63  }
0x64: {  	s30 =	simm.s32 $0xA000;
	s7 =	sld [smem:$0x7F7]  }
0x65: {  	[tilespmem:s30], [sflag:$0x6] =	stream.strided.gather [hbm4b:s20+s31], $0x400, s0, s31, $0x38;
	[tilespmem:$0x18000] =	vst v63  }
0x66: {  	s9 =	simm.s32 $0xA400;
	s10 =	sld [smem:$0x7F8]  }
0x67: {  	[tilespmem:s9], [sflag:$0x6] =	stream.strided.gather [hbm4b:s7+s31], $0x400, s0, s31, $0x38;
	[tilespmem:$0x18000] =	vst v63  }
0x68: {  	s11 =	simm.s32 $0xA800;
	s12 =	sld [smem:$0x7F9]  }
0x69: {  	[tilespmem:s11], [sflag:$0x6] =	stream.strided.gather [hbm4b:s10+s31], $0x400, s0, s31, $0x38;
	[tilespmem:$0x18000] =	vst v63  }
0x6a: {  	s17 =	simm.s32 $0xAC00;
	s20 =	sld [smem:$0x7FA]  }
0x6b: {  	[tilespmem:s17], [sflag:$0x6] =	stream.strided.gather [hbm4b:s12+s31], $0x400, s0, s31, $0x38;
	[tilespmem:$0x18000] =	vst v63  }
0x6c: {  	s30 =	simm.s32 $0xB000;
	s7 =	sld [smem:$0x7FB]  }
0x6d: {  	[tilespmem:s30], [sflag:$0x6] =	stream.strided.gather [hbm4b:s20+s31], $0x400, s0, s31, $0x38;
	[tilespmem:$0x18000] =	vst v63  }
0x6e: {  	s9 =	simm.s32 $0xB400;
	s10 =	sld [smem:$0x7FC]  }
0x6f: {  	[tilespmem:s9], [sflag:$0x6] =	stream.strided.gather [hbm4b:s7+s31], $0x400, s0, s31, $0x38;
	[tilespmem:$0x18000] =	vst v63  }
0x70: {  	s11 =	simm.s32 $0xB800;
	s12 =	sld [smem:$0x7FD]  }
0x71: {  	[tilespmem:s11], [sflag:$0x6] =	stream.strided.gather [hbm4b:s10+s31], $0x400, s0, s31, $0x38;
	[tilespmem:$0x18000] =	vst v63  }
0x72: {  	s17 =	simm.s32 $0xBC00  }
0x73: {  	[tilespmem:s17], [sflag:$0x6] =	stream.strided.gather [hbm4b:s12+s31], $0x400, s0, s31, $0x38;
	[tilespmem:$0x18000] =	vst v63  }
0x74: {  	s29 =	simm.s32 $0x0;
	s20 =	rddreg [dreg:$0x9];
	s30 =	simm.s32 $0x12000  }
0x75: {  	[tilespmem:s30], [sflag:$0xA] =	stream.linear.gather [hbm4b:s20+s2], $0x2000, $0x38;
	[tilespmem:$0x18000] =	vst v63  }
.LBB2_2:
0x76: {  	p0 =	seq.s32 s29, $0x0  }
0x77: {  	s2 =	simm.s32 @!p0 $0xF  }
0x78: {  	s7 =	sshll.u32 s29, $0x2;
	_ =	swait.ge @!p0 [sflag:s2], $0x2000  }
0x79: {  	s5 =	sor.u32 $0x2, s7;
	[sflag:s2] =	ssyncset.done @!p0 $0x0  }
0x7a: {  	s9 =	sshll.u32 s5, $0x3;
	[sflag:s2] =	ssyncadd.s32 @!p0 $0xFFFFE000;
	s2 =	simm.s32 @!p0 $0x13  }
0x7b: {  	s9 =	sadd.s32 s6, s9;
	_ =	swait.ge @!p0 [sflag:s2], $0x2000  }
0x7c: {  	s10 =	sshll.u32 s9, $0x8;
	[sflag:s2] =	ssyncset.done @!p0 $0x0  }
0x7d: {  	[sflag:s2] =	ssyncadd.s32 @!p0 $0xFFFFE000;
	s2 =	sadd.s32 s1, s10  }
0x7e: {  	[tilespmem:s21], [sflag:$0x3] =	stream.strided.gather [hbm4b:s2+s31], $0x400, s0, s31, $0x38;
	[tilespmem:$0x18000] =	vst v63  }
0x7f: {  	s11 =	sadd.s32 $0x20, s2  }
0x80: {  	[tilespmem:s22], [sflag:$0x3] =	stream.strided.gather [hbm4b:s11+s31], $0x400, s0, s31, $0x38;
	[tilespmem:$0x18000] =	vst v63  }
0x81: {  	s12 =	simm.s32 $0x4800;
	s22 =	sadd.s32 $0x40, s2  }
0x82: {  	[tilespmem:s12], [sflag:$0x3] =	stream.strided.gather [hbm4b:s22+s31], $0x400, s0, s31, $0x38;
	[tilespmem:$0x18000] =	vst v63  }
0x83: {  	s20 =	simm.s32 $0x4C00;
	s17 =	sadd.s32 $0x60, s2  }
0x84: {  	[tilespmem:s20], [sflag:$0x3] =	stream.strided.gather [hbm4b:s17+s31], $0x400, s0, s31, $0x38;
	[tilespmem:$0x18000] =	vst v63  }
0x85: {  	s21 =	sadd.s32 $0x80, s2;
	s22 =	simm.s32 $0x5000  }
0x86: {  	[tilespmem:s22], [sflag:$0x3] =	stream.strided.gather [hbm4b:s21+s31], $0x400, s0, s31, $0x38;
	[tilespmem:$0x18000] =	vst v63  }
0x87: {  	s17 =	sadd.s32 $0xA0, s2;
	s20 =	simm.s32 $0x5400  }
0x88: {  	[tilespmem:s20], [sflag:$0x3] =	stream.strided.gather [hbm4b:s17+s31], $0x400, s0, s31, $0x38;
	[tilespmem:$0x18000] =	vst v63  }
0x89: {  	s21 =	sadd.s32 $0xC0, s2;
	s22 =	simm.s32 $0x5800  }
0x8a: {  	[tilespmem:s22], [sflag:$0x3] =	stream.strided.gather [hbm4b:s21+s31], $0x400, s0, s31, $0x38;
	[tilespmem:$0x18000] =	vst v63  }
0x8b: {  	s2 =	sadd.s32 $0xE0, s2;
	s17 =	simm.s32 $0x5C00  }
0x8c: {  	[tilespmem:s17], [sflag:$0x3] =	stream.strided.gather [hbm4b:s2+s31], $0x400, s0, s31, $0x38;
	[tilespmem:$0x18000] =	vst v63  }
0x8d: {  	s20 =	simm.s32 $0xC000;
	s2 =	sadd.s32 s10, s8  }
0x8e: {  	[tilespmem:s20], [sflag:$0x7] =	stream.strided.gather [hbm4b:s2+s31], $0x400, s0, s31, $0x38;
	[tilespmem:$0x18000] =	vst v63  }
0x8f: {  	s22 =	simm.s32 $0xC400;
	s21 =	sadd.s32 $0x20, s2  }
0x90: {  	[tilespmem:s22], [sflag:$0x7] =	stream.strided.gather [hbm4b:s21+s31], $0x400, s0, s31, $0x38;
	[tilespmem:$0x18000] =	vst v63  }
0x91: {  	s12 =	simm.s32 $0xC800;
	s11 =	sadd.s32 $0x40, s2  }
0x92: {  	[tilespmem:s12], [sflag:$0x7] =	stream.strided.gather [hbm4b:s11+s31], $0x400, s0, s31, $0x38;
	[tilespmem:$0x18000] =	vst v63  }
0x93: {  	s17 =	sadd.s32 $0x60, s2;
	s20 =	simm.s32 $0xCC00  }
0x94: {  	[tilespmem:s20], [sflag:$0x7] =	stream.strided.gather [hbm4b:s17+s31], $0x400, s0, s31, $0x38;
	[tilespmem:$0x18000] =	vst v63  }
0x95: {  	s21 =	sadd.s32 $0x80, s2;
	s22 =	simm.s32 $0xD000  }
0x96: {  	[tilespmem:s22], [sflag:$0x7] =	stream.strided.gather [hbm4b:s21+s31], $0x400, s0, s31, $0x38;
	[tilespmem:$0x18000] =	vst v63  }
0x97: {  	s12 =	sadd.s32 $0xA0, s2;
	s17 =	simm.s32 $0xD400  }
0x98: {  	[tilespmem:s17], [sflag:$0x7] =	stream.strided.gather [hbm4b:s12+s31], $0x400, s0, s31, $0x38;
	[tilespmem:$0x18000] =	vst v63  }
0x99: {  	s10 =	sshll.u32 s9, $0x7;
	s20 =	sadd.s32 $0xC0, s2;
	s21 =	simm.s32 $0xD800  }
0x9a: {  	[tilespmem:s21], [sflag:$0x7] =	stream.strided.gather [hbm4b:s20+s31], $0x400, s0, s31, $0x38;
	[tilespmem:$0x18000] =	vst v63  }
0x9b: {  	s11 =	simm.s32 $0x0;
	s2 =	sadd.s32 $0xE0, s2;
	s22 =	simm.s32 $0xDC00  }
0x9c: {  	[tilespmem:s22], [sflag:$0x7] =	stream.strided.gather [hbm4b:s2+s31], $0x400, s0, s31, $0x38;
	[tilespmem:$0x18000] =	vst v63  }
0x9d: {  	s17 =	simm.s32 $0x14000;
	s20 =	simm.s32 $0x1;
	s2 =	sadd.s32 s3, s10  }
0x9e: {  	[tilespmem:s17], [sflag:$0xB] =	stream.linear.gather [hbm4b:s2+s11], $0x2000, $0x38;
	[tilespmem:$0x18000] =	vst v63  }
0x9f: {  	_ =	swait.ge [sflag:s20], $0x2000  }
0xa0: {  	[sflag:s20] =	ssyncset.done $0x0  }
0xa1: {  	s21 =	simm.s32 $0x5;
	[sflag:s20] =	ssyncadd.s32 $0xFFFFE000  }
0xa2: {  	_ =	swait.ge [sflag:s21], $0x2000  }
0xa3: {  	[sflag:s21] =	ssyncset.done $0x0  }
0xa4: {  	s22 =	simm.s32 $0x9;
	[sflag:s21] =	ssyncadd.s32 $0xFFFFE000  }
0xa5: {  	s12 =	sand.u32 $0x1C00, s11;
	s17 =	sand.u32 $0x380, s11;
	_ =	swait.ge [sflag:s22], $0x2000  }
0xa6: {  	s9 =	sand.u32 $0x60, s11;
	s2 =	sor.u32 s17, s12;
	[sflag:s22] =	ssyncset.done $0x0  }
0xa7: {  	s30 =	sor.u32 s9, s2;
	[sflag:s22] =	ssyncadd.s32 $0xFFFFE000  }
0xa8: {  	v0 =	vld [tilespmem:s30+$0x8010]  }
0xa9: {  	v4 =	vld [tilespmem:s30+$0x10]  }
0xaa: {  	s20 =	simm.s32 $0x100;
	s21 =	simm.s32 $0x4;
	v8 =	vld [tilespmem:s30+$0x0]  }
0xab: {  	s11 =	simm.s32 $0x20;
	s2 =	sand.u32 $0x1C00, s20;
	s9 =	sand.u32 $0x380, s21;
	v2 =	vld [tilespmem:s30+$0x8000]  }
0xac: {  	s2 =	sor.u32 s9, s2;
	s22 =	sand.u32 $0x60, s11;
	v7 =	vld [tilespmem:s30+$0x10000]  }
0xad: {  	s9 =	sor.u32 s22, s2;
	v5 =	vld [tilespmem:s30+$0x10010]  }
0xae: {  	v3 =	vld [tilespmem:s9+$0x8010]  }
0xaf: {  	v1 =	vld [tilespmem:s9+$0x10]  }
0xb0: {  	s12 =	simm.s32 $0x2;
	s17 =	simm.s32 $0x200;
	s2 =	simm.s32 $0x8;
	v6 =	vld [tilespmem:s9+$0x0]  }
.LBB2_3:
0xb1: {  	s10 =	sand.u32 $0x1C00, s17;
	s12 =	sadd.s32 $0x2, s12  }
0xb2: {  	s20 =	sand.u32 $0x380, s2;
	s11 =	sadd.s32 $0x20, s11;
	v8 =	vadd.f32 v8, v7;
	v9 =	vadd.f32 v2, v7;
	v2 =	vld [tilespmem:s9+$0x8000];
	p1 =	slt.u32 s12, $0x1FE  }
.Ltmp0:
0xb3: {  	s21 =	sand.u32 $0x60, s11;
	s10 =	sor.u32 s20, s10;
	v7 =	vld [tilespmem:s9+$0x10000];
	v10 =	vadd.f32 v4, v5;
	v11 =	vadd.f32 v0, v5;
	(pc) =	sbr.rel @p1 .LBB2_3-.Ltmp0, $4  }
0xb4: {  	s20 =	smov.u32 s9;
	v5 =	vld [tilespmem:s9+$0x10010];
	[tilespmem:s30+$0x0] =	vst v8;
	v0 =	vmov v3;
	s9 =	sor.u32 s21, s10  }
0xb5: {  	v3 =	vld [tilespmem:s9+$0x8010];
	[tilespmem:s30+$0x8010] =	vst v11;
	v4 =	vmov v1  }
0xb6: {  	v1 =	vld [tilespmem:s9+$0x10];
	[tilespmem:s30+$0x8000] =	vst v9;
	v8 =	vmov v6  }
0xb7: {  	s17 =	sadd.s32 $0x100, s17;
	s2 =	sadd.s32 $0x4, s2;
	v6 =	vld [tilespmem:s9+$0x0];
	[tilespmem:s30+$0x10] =	vst v10;
	s30 =	smov.u32 s20  }
0xb8: {  	v9 =	vld [tilespmem:s9+$0x10000]  }
0xb9: {  	v8 =	vadd.f32 v8, v7;
	v10 =	vld [tilespmem:s9+$0x10010]  }
0xba: {  	v11 =	vld [tilespmem:s9+$0x8000];
	v2 =	vadd.f32 v2, v7  }
0xbb: {  	v0 =	vadd.f32 v0, v5;
	[tilespmem:s30+$0x0] =	vst v8  }
0xbc: {  	v4 =	vadd.f32 v4, v5;
	[tilespmem:s30+$0x8000] =	vst v2  }
0xbd: {  	[tilespmem:s30+$0x8010] =	vst v0;
	v0 =	vadd.f32 v6, v9  }
0xbe: {  	[tilespmem:s30+$0x10] =	vst v4;
	v2 =	vadd.f32 v3, v10  }
0xbf: {  	s2 =	sshll.u32 s29, $0x10;
	v3 =	vadd.f32 v11, v9;
	[tilespmem:s9+$0x0] =	vst v0  }
0xc0: {  	s2 =	sadd.s32 s14, s2;
	v0 =	vadd.f32 v1, v10;
	[tilespmem:s9+$0x8010] =	vst v2  }
0xc1: {  	s2 =	sshrl.u32 s2, $0x3;
	[tilespmem:s9+$0x8000] =	vst v3  }
0xc2: {  	s10 =	simm.s32 $0x0;
	[tilespmem:s9+$0x10] =	vst v0;
	s9 =	sadd.s32 s4, s2  }
0xc3: {  	[hbm4b:s9+s31] =	stream.strided.scatter [tilespmem:s10], [sflag:$0xD], $0x400, s0, s31, $0x38;
	[tilespmem:$0x18000] =	vst v63  }
0xc4: {  	s11 =	simm.s32 $0x400;
	s17 =	sadd.s32 $0x20, s9  }
0xc5: {  	[hbm4b:s17+s31] =	stream.strided.scatter [tilespmem:s11], [sflag:$0xD], $0x400, s0, s31, $0x38;
	[tilespmem:$0x18000] =	vst v63  }
0xc6: {  	s20 =	sadd.s32 $0x40, s9  }
0xc7: {  	[hbm4b:s20+s31] =	stream.strided.scatter [tilespmem:s0], [sflag:$0xD], $0x400, s0, s31, $0x38;
	[tilespmem:$0x18000] =	vst v63  }
0xc8: {  	s22 =	simm.s32 $0xC00;
	s21 =	sadd.s32 $0x60, s9  }
0xc9: {  	[hbm4b:s21+s31] =	stream.strided.scatter [tilespmem:s22], [sflag:$0xD], $0x400, s0, s31, $0x38;
	[tilespmem:$0x18000] =	vst v63  }
0xca: {  	s12 =	simm.s32 $0x1000;
	s11 =	sadd.s32 $0x80, s9  }
0xcb: {  	[hbm4b:s11+s31] =	stream.strided.scatter [tilespmem:s12], [sflag:$0xD], $0x400, s0, s31, $0x38;
	[tilespmem:$0x18000] =	vst v63  }
0xcc: {  	s17 =	sadd.s32 $0xA0, s9;
	s20 =	simm.s32 $0x1400  }
0xcd: {  	[hbm4b:s17+s31] =	stream.strided.scatter [tilespmem:s20], [sflag:$0xD], $0x400, s0, s31, $0x38;
	[tilespmem:$0x18000] =	vst v63  }
0xce: {  	s21 =	sadd.s32 $0xC0, s9;
	s22 =	simm.s32 $0x1800  }
0xcf: {  	[hbm4b:s21+s31] =	stream.strided.scatter [tilespmem:s22], [sflag:$0xD], $0x400, s0, s31, $0x38;
	[tilespmem:$0x18000] =	vst v63  }
0xd0: {  	s9 =	sadd.s32 $0xE0, s9;
	s11 =	simm.s32 $0x1C00  }
0xd1: {  	[hbm4b:s9+s31] =	stream.strided.scatter [tilespmem:s11], [sflag:$0xD], $0x400, s0, s31, $0x38;
	[tilespmem:$0x18000] =	vst v63  }
0xd2: {  	s2 =	sadd.s32 s2, s15;
	s12 =	simm.s32 $0x8000  }
0xd3: {  	[hbm4b:s2+s31] =	stream.strided.scatter [tilespmem:s12], [sflag:$0x11], $0x400, s0, s31, $0x38;
	[tilespmem:$0x18000] =	vst v63  }
0xd4: {  	s17 =	sadd.s32 $0x20, s2;
	s20 =	simm.s32 $0x8400  }
0xd5: {  	[hbm4b:s17+s31] =	stream.strided.scatter [tilespmem:s20], [sflag:$0x11], $0x400, s0, s31, $0x38;
	[tilespmem:$0x18000] =	vst v63  }
0xd6: {  	s21 =	sadd.s32 $0x40, s2;
	s22 =	simm.s32 $0x8800  }
0xd7: {  	[hbm4b:s21+s31] =	stream.strided.scatter [tilespmem:s22], [sflag:$0x11], $0x400, s0, s31, $0x38;
	[tilespmem:$0x18000] =	vst v63  }
0xd8: {  	s11 =	sadd.s32 $0x60, s2;
	s12 =	simm.s32 $0x8C00  }
0xd9: {  	[hbm4b:s11+s31] =	stream.strided.scatter [tilespmem:s12], [sflag:$0x11], $0x400, s0, s31, $0x38;
	[tilespmem:$0x18000] =	vst v63  }
0xda: {  	s17 =	sadd.s32 $0x80, s2;
	s20 =	simm.s32 $0x9000  }
0xdb: {  	[hbm4b:s17+s31] =	stream.strided.scatter [tilespmem:s20], [sflag:$0x11], $0x400, s0, s31, $0x38;
	[tilespmem:$0x18000] =	vst v63  }
0xdc: {  	s21 =	sadd.s32 $0xA0, s2;
	s22 =	simm.s32 $0x9400  }
0xdd: {  	[hbm4b:s21+s31] =	stream.strided.scatter [tilespmem:s22], [sflag:$0x11], $0x400, s0, s31, $0x38;
	[tilespmem:$0x18000] =	vst v63  }
0xde: {  	s11 =	sadd.s32 $0xC0, s2;
	s12 =	simm.s32 $0x9800  }
0xdf: {  	[hbm4b:s11+s31] =	stream.strided.scatter [tilespmem:s12], [sflag:$0x11], $0x400, s0, s31, $0x38;
	[tilespmem:$0x18000] =	vst v63  }
0xe0: {  	s2 =	sadd.s32 $0xE0, s2;
	s17 =	simm.s32 $0x9C00  }
0xe1: {  	[hbm4b:s2+s31] =	stream.strided.scatter [tilespmem:s17], [sflag:$0x11], $0x400, s0, s31, $0x38;
	[tilespmem:$0x18000] =	vst v63  }
0xe2: {  	s2 =	simm.s32 @!p0 $0x10  }
0xe3: {  	_ =	swait.ge @!p0 [sflag:s2], $0x2000  }
0xe4: {  	s30 =	sor.u32 $0x3, s7;
	[sflag:s2] =	ssyncset.done @!p0 $0x0  }
0xe5: {  	s7 =	sshll.u32 s30, $0x3;
	[sflag:s2] =	ssyncadd.s32 @!p0 $0xFFFFE000;
	s2 =	simm.s32 @!p0 $0x14  }
0xe6: {  	s7 =	sadd.s32 s6, s7;
	_ =	swait.ge @!p0 [sflag:s2], $0x2000  }
0xe7: {  	s9 =	sshll.u32 s7, $0x8;
	[sflag:s2] =	ssyncset.done @!p0 $0x0  }
0xe8: {  	s20 =	simm.s32 $0x6000;
	[sflag:s2] =	ssyncadd.s32 @!p0 $0xFFFFE000;
	s2 =	sadd.s32 s1, s9  }
0xe9: {  	[tilespmem:s20], [sflag:$0x4] =	stream.strided.gather [hbm4b:s2+s31], $0x400, s0, s31, $0x38;
	[tilespmem:$0x18000] =	vst v63  }
0xea: {  	s22 =	simm.s32 $0x6400;
	s21 =	sadd.s32 $0x20, s2  }
0xeb: {  	[tilespmem:s22], [sflag:$0x4] =	stream.strided.gather [hbm4b:s21+s31], $0x400, s0, s31, $0x38;
	[tilespmem:$0x18000] =	vst v63  }
0xec: {  	s12 =	simm.s32 $0x6800;
	s11 =	sadd.s32 $0x40, s2  }
0xed: {  	[tilespmem:s12], [sflag:$0x4] =	stream.strided.gather [hbm4b:s11+s31], $0x400, s0, s31, $0x38;
	[tilespmem:$0x18000] =	vst v63  }
0xee: {  	s17 =	sadd.s32 $0x60, s2;
	s20 =	simm.s32 $0x6C00  }
0xef: {  	[tilespmem:s20], [sflag:$0x4] =	stream.strided.gather [hbm4b:s17+s31], $0x400, s0, s31, $0x38;
	[tilespmem:$0x18000] =	vst v63  }
0xf0: {  	s21 =	sadd.s32 $0x80, s2;
	s22 =	simm.s32 $0x7000  }
0xf1: {  	[tilespmem:s22], [sflag:$0x4] =	stream.strided.gather [hbm4b:s21+s31], $0x400, s0, s31, $0x38;
	[tilespmem:$0x18000] =	vst v63  }
0xf2: {  	s12 =	sadd.s32 $0xA0, s2;
	s17 =	simm.s32 $0x7400  }
0xf3: {  	[tilespmem:s17], [sflag:$0x4] =	stream.strided.gather [hbm4b:s12+s31], $0x400, s0, s31, $0x38;
	[tilespmem:$0x18000] =	vst v63  }
0xf4: {  	s20 =	sadd.s32 $0xC0, s2;
	s21 =	simm.s32 $0x7800  }
0xf5: {  	[tilespmem:s21], [sflag:$0x4] =	stream.strided.gather [hbm4b:s20+s31], $0x400, s0, s31, $0x38;
	[tilespmem:$0x18000] =	vst v63  }
0xf6: {  	s2 =	sadd.s32 $0xE0, s2;
	s22 =	simm.s32 $0x7C00  }
0xf7: {  	[tilespmem:s22], [sflag:$0x4] =	stream.strided.gather [hbm4b:s2+s31], $0x400, s0, s31, $0x38;
	[tilespmem:$0x18000] =	vst v63  }
0xf8: {  	s10 =	simm.s32 $0xE000;
	s2 =	sadd.s32 s9, s8  }
0xf9: {  	[tilespmem:s10], [sflag:$0x8] =	stream.strided.gather [hbm4b:s2+s31], $0x400, s0, s31, $0x38;
	[tilespmem:$0x18000] =	vst v63  }
0xfa: {  	s12 =	simm.s32 $0xE400;
	s11 =	sadd.s32 $0x20, s2  }
0xfb: {  	[tilespmem:s12], [sflag:$0x8] =	stream.strided.gather [hbm4b:s11+s31], $0x400, s0, s31, $0x38;
	[tilespmem:$0x18000] =	vst v63  }
0xfc: {  	s20 =	simm.s32 $0xE800;
	s17 =	sadd.s32 $0x40, s2  }
0xfd: {  	[tilespmem:s20], [sflag:$0x8] =	stream.strided.gather [hbm4b:s17+s31], $0x400, s0, s31, $0x38;
	[tilespmem:$0x18000] =	vst v63  }
0xfe: {  	s22 =	simm.s32 $0xEC00;
	s21 =	sadd.s32 $0x60, s2  }
0xff: {  	[tilespmem:s22], [sflag:$0x8] =	stream.strided.gather [hbm4b:s21+s31], $0x400, s0, s31, $0x38;
	[tilespmem:$0x18000] =	vst v63  }
0x100: {  	s10 =	sadd.s32 $0x80, s2;
	s11 =	simm.s32 $0xF000  }
0x101: {  	[tilespmem:s11], [sflag:$0x8] =	stream.strided.gather [hbm4b:s10+s31], $0x400, s0, s31, $0x38;
	[tilespmem:$0x18000] =	vst v63  }
0x102: {  	s12 =	sadd.s32 $0xA0, s2;
	s17 =	simm.s32 $0xF400  }
0x103: {  	[tilespmem:s17], [sflag:$0x8] =	stream.strided.gather [hbm4b:s12+s31], $0x400, s0, s31, $0x38;
	[tilespmem:$0x18000] =	vst v63  }
0x104: {  	s20 =	sadd.s32 $0xC0, s2;
	s21 =	simm.s32 $0xF800  }
0x105: {  	[tilespmem:s21], [sflag:$0x8] =	stream.strided.gather [hbm4b:s20+s31], $0x400, s0, s31, $0x38;
	[tilespmem:$0x18000] =	vst v63  }
0x106: {  	s9 =	sshll.u32 s7, $0x7;
	s2 =	sadd.s32 $0xE0, s2;
	s22 =	simm.s32 $0xFC00  }
0x107: {  	[tilespmem:s22], [sflag:$0x8] =	stream.strided.gather [hbm4b:s2+s31], $0x400, s0, s31, $0x38;
	[tilespmem:$0x18000] =	vst v63  }
0x108: {  	s10 =	simm.s32 $0x0;
	s11 =	simm.s32 $0x16000;
	s2 =	sadd.s32 s3, s9  }
0x109: {  	[tilespmem:s11], [sflag:$0xC] =	stream.linear.gather [hbm4b:s2+s10], $0x2000, $0x38;
	[tilespmem:$0x18000] =	vst v63  }
0x10a: {  	_ =	swait.ge [sflag:s13], $0x2000  }
0x10b: {  	[sflag:s13] =	ssyncset.done $0x0  }
0x10c: {  	[sflag:s13] =	ssyncadd.s32 $0xFFFFE000  }
0x10d: {  	_ =	swait.ge [sflag:s18], $0x2000  }
0x10e: {  	[sflag:s18] =	ssyncset.done $0x0  }
0x10f: {  	[sflag:s18] =	ssyncadd.s32 $0xFFFFE000  }
0x110: {  	s12 =	sand.u32 $0x1C00, s10;
	s17 =	sand.u32 $0x380, s10;
	_ =	swait.ge [sflag:s19], $0x2000  }
0x111: {  	s7 =	sand.u32 $0x60, s10;
	s2 =	sor.u32 s17, s12;
	[sflag:s19] =	ssyncset.done $0x0  }
0x112: {  	s7 =	sor.u32 s7, s2;
	[sflag:s19] =	ssyncadd.s32 $0xFFFFE000  }
0x113: {  	v1 =	vld [tilespmem:s7+$0xA010]  }
0x114: {  	v4 =	vld [tilespmem:s7+$0x2010]  }
0x115: {  	s20 =	simm.s32 $0x100;
	s21 =	simm.s32 $0x4;
	v8 =	vld [tilespmem:s7+$0x2000]  }
0x116: {  	s9 =	sand.u32 $0x380, s21;
	s11 =	simm.s32 $0x20;
	s2 =	sand.u32 $0x1C00, s20;
	v2 =	vld [tilespmem:s7+$0xA000]  }
0x117: {  	s22 =	sand.u32 $0x60, s11;
	s2 =	sor.u32 s9, s2;
	v7 =	vld [tilespmem:s7+$0x12000]  }
0x118: {  	s9 =	sor.u32 s22, s2;
	v5 =	vld [tilespmem:s7+$0x12010]  }
0x119: {  	v3 =	vld [tilespmem:s9+$0xA010]  }
0x11a: {  	v0 =	vld [tilespmem:s9+$0x2010]  }
0x11b: {  	s12 =	simm.s32 $0x2;
	s17 =	simm.s32 $0x200;
	s2 =	simm.s32 $0x8;
	v6 =	vld [tilespmem:s9+$0x2000]  }
.LBB2_5:
0x11c: {  	s10 =	sand.u32 $0x1C00, s17;
	s12 =	sadd.s32 $0x2, s12  }
0x11d: {  	s20 =	sand.u32 $0x380, s2;
	s11 =	sadd.s32 $0x20, s11;
	v8 =	vadd.f32 v8, v7;
	v9 =	vadd.f32 v2, v7;
	v2 =	vld [tilespmem:s9+$0xA000];
	p0 =	slt.u32 s12, $0x1FE  }
.Ltmp1:
0x11e: {  	s21 =	sand.u32 $0x60, s11;
	s10 =	sor.u32 s20, s10;
	v7 =	vld [tilespmem:s9+$0x12000];
	v10 =	vadd.f32 v4, v5;
	v11 =	vadd.f32 v1, v5;
	(pc) =	sbr.rel @p0 .LBB2_5-.Ltmp1, $4  }
0x11f: {  	s20 =	smov.u32 s9;
	v5 =	vld [tilespmem:s9+$0x12010];
	[tilespmem:s7+$0x2000] =	vst v8;
	v1 =	vmov v3;
	s9 =	sor.u32 s21, s10  }
0x120: {  	v3 =	vld [tilespmem:s9+$0xA010];
	[tilespmem:s7+$0xA010] =	vst v11;
	v4 =	vmov v0  }
0x121: {  	v0 =	vld [tilespmem:s9+$0x2010];
	[tilespmem:s7+$0xA000] =	vst v9;
	v8 =	vmov v6  }
0x122: {  	s17 =	sadd.s32 $0x100, s17;
	s2 =	sadd.s32 $0x4, s2;
	v6 =	vld [tilespmem:s9+$0x2000];
	[tilespmem:s7+$0x2010] =	vst v10;
	s7 =	smov.u32 s20  }
0x123: {  	v9 =	vld [tilespmem:s9+$0x12000]  }
0x124: {  	v8 =	vadd.f32 v8, v7;
	v10 =	vld [tilespmem:s9+$0x12010]  }
0x125: {  	v11 =	vld [tilespmem:s9+$0xA000];
	v2 =	vadd.f32 v2, v7  }
0x126: {  	v1 =	vadd.f32 v1, v5;
	[tilespmem:s7+$0x2000] =	vst v8  }
0x127: {  	v4 =	vadd.f32 v4, v5;
	[tilespmem:s7+$0xA000] =	vst v2  }
0x128: {  	[tilespmem:s7+$0xA010] =	vst v1;
	v1 =	vadd.f32 v6, v9  }
0x129: {  	[tilespmem:s7+$0x2010] =	vst v4;
	s7 =	sshll.u32 s29, $0x5;
	v2 =	vadd.f32 v3, v10  }
0x12a: {  	s2 =	sor.u32 s7, s6;
	v3 =	vadd.f32 v11, v9;
	[tilespmem:s9+$0x2000] =	vst v1  }
0x12b: {  	v0 =	vadd.f32 v0, v10;
	s2 =	sshll.u32 s2, $0x8;
	[tilespmem:s9+$0xA010] =	vst v2  }
0x12c: {  	s2 =	sor.u32 $0x800, s2;
	[tilespmem:s9+$0xA000] =	vst v3  }
0x12d: {  	s10 =	simm.s32 $0x2000;
	[tilespmem:s9+$0x2010] =	vst v0;
	s9 =	sadd.s32 s4, s2  }
0x12e: {  	[hbm4b:s9+s31] =	stream.strided.scatter [tilespmem:s10], [sflag:$0xE], $0x400, s0, s31, $0x38;
	[tilespmem:$0x18000] =	vst v63  }
0x12f: {  	s11 =	simm.s32 $0x2400;
	s22 =	sadd.s32 $0x20, s9  }
0x130: {  	[hbm4b:s22+s31] =	stream.strided.scatter [tilespmem:s11], [sflag:$0xE], $0x400, s0, s31, $0x38;
	[tilespmem:$0x18000] =	vst v63  }
0x131: {  	s12 =	simm.s32 $0x2800;
	s11 =	sadd.s32 $0x40, s9  }
0x132: {  	[hbm4b:s11+s31] =	stream.strided.scatter [tilespmem:s12], [sflag:$0xE], $0x400, s0, s31, $0x38;
	[tilespmem:$0x18000] =	vst v63  }
0x133: {  	s20 =	simm.s32 $0x2C00;
	s17 =	sadd.s32 $0x60, s9  }
0x134: {  	[hbm4b:s17+s31] =	stream.strided.scatter [tilespmem:s20], [sflag:$0xE], $0x400, s0, s31, $0x38;
	[tilespmem:$0x18000] =	vst v63  }
0x135: {  	s21 =	sadd.s32 $0x80, s9;
	s22 =	simm.s32 $0x3000  }
0x136: {  	[hbm4b:s21+s31] =	stream.strided.scatter [tilespmem:s22], [sflag:$0xE], $0x400, s0, s31, $0x38;
	[tilespmem:$0x18000] =	vst v63  }
0x137: {  	s12 =	sadd.s32 $0xA0, s9;
	s17 =	simm.s32 $0x3400  }
0x138: {  	[hbm4b:s12+s31] =	stream.strided.scatter [tilespmem:s17], [sflag:$0xE], $0x400, s0, s31, $0x38;
	[tilespmem:$0x18000] =	vst v63  }
0x139: {  	s20 =	sadd.s32 $0xC0, s9;
	s21 =	simm.s32 $0x3800  }
0x13a: {  	[hbm4b:s20+s31] =	stream.strided.scatter [tilespmem:s21], [sflag:$0xE], $0x400, s0, s31, $0x38;
	[tilespmem:$0x18000] =	vst v63  }
0x13b: {  	s9 =	sadd.s32 $0xE0, s9;
	s22 =	simm.s32 $0x3C00  }
0x13c: {  	[hbm4b:s9+s31] =	stream.strided.scatter [tilespmem:s22], [sflag:$0xE], $0x400, s0, s31, $0x38;
	[tilespmem:$0x18000] =	vst v63  }
0x13d: {  	s2 =	sadd.s32 s2, s15;
	s10 =	simm.s32 $0xA000  }
0x13e: {  	[hbm4b:s2+s31] =	stream.strided.scatter [tilespmem:s10], [sflag:$0x12], $0x400, s0, s31, $0x38;
	[tilespmem:$0x18000] =	vst v63  }
0x13f: {  	s11 =	sadd.s32 $0x20, s2;
	s12 =	simm.s32 $0xA400  }
0x140: {  	[hbm4b:s11+s31] =	stream.strided.scatter [tilespmem:s12], [sflag:$0x12], $0x400, s0, s31, $0x38;
	[tilespmem:$0x18000] =	vst v63  }
0x141: {  	s17 =	sadd.s32 $0x40, s2;
	s20 =	simm.s32 $0xA800  }
0x142: {  	[hbm4b:s17+s31] =	stream.strided.scatter [tilespmem:s20], [sflag:$0x12], $0x400, s0, s31, $0x38;
	[tilespmem:$0x18000] =	vst v63  }
0x143: {  	s21 =	sadd.s32 $0x60, s2;
	s22 =	simm.s32 $0xAC00  }
0x144: {  	[hbm4b:s21+s31] =	stream.strided.scatter [tilespmem:s22], [sflag:$0x12], $0x400, s0, s31, $0x38;
	[tilespmem:$0x18000] =	vst v63  }
0x145: {  	s11 =	sadd.s32 $0x80, s2;
	s12 =	simm.s32 $0xB000  }
0x146: {  	[hbm4b:s11+s31] =	stream.strided.scatter [tilespmem:s12], [sflag:$0x12], $0x400, s0, s31, $0x38;
	[tilespmem:$0x18000] =	vst v63  }
0x147: {  	s17 =	sadd.s32 $0xA0, s2;
	s20 =	simm.s32 $0xB400  }
0x148: {  	[hbm4b:s17+s31] =	stream.strided.scatter [tilespmem:s20], [sflag:$0x12], $0x400, s0, s31, $0x38;
	[tilespmem:$0x18000] =	vst v63  }
0x149: {  	s21 =	sadd.s32 $0xC0, s2;
	s22 =	simm.s32 $0xB800  }
0x14a: {  	[hbm4b:s21+s31] =	stream.strided.scatter [tilespmem:s22], [sflag:$0x12], $0x400, s0, s31, $0x38;
	[tilespmem:$0x18000] =	vst v63  }
0x14b: {  	p0 =	seq.s32 s29, $0x7;
	s10 =	simm.s32 $0xBC00;
	s2 =	sadd.s32 $0xE0, s2  }
0x14c: {  	[hbm4b:s2+s31] =	stream.strided.scatter [tilespmem:s10], [sflag:$0x12], $0x400, s0, s31, $0x38;
	[tilespmem:$0x18000] =	vst v63  }
0x14d: {  	s2 =	simm.s32 @!p0 $0xD  }
0x14e: {  	_ =	swait.ge @!p0 [sflag:s2], $0x2000  }
0x14f: {  	[sflag:s2] =	ssyncset.done @!p0 $0x0  }
0x150: {  	[sflag:s2] =	ssyncadd.s32 @!p0 $0xFFFFE000;
	s2 =	simm.s32 @!p0 $0x11  }
0x151: {  	_ =	swait.ge @!p0 [sflag:s2], $0x2000  }
0x152: {  	s9 =	rddreg [dreg:$0xa]  }
0x153: {  	s11 =	simm.s32 @!p0 $0x80;
	s9 =	sadd.s32 @!p0 s7, s9  }
0x154: {  	s12 =	simm.s32 @!p0 $0x800;
	[sflag:s2] =	ssyncset.done @!p0 $0x0;
	s10 =	sshll.u32 @!p0 s9, $0x8  }
0x155: {  	s17 =	simm.s32 @!p0 $0x0;
	[sflag:s2] =	ssyncadd.s32 @!p0 $0xFFFFE000;
	s2 =	sadd.s32 @!p0 s1, s10  }
0x156: {  	[tilespmem:s17], [sflag:$0x1] =	stream.strided.gather @!p0 [hbm4b:s2+s11], $0x400, s12, s11, $0x38;
	[tilespmem:$0x18000] =	vst v63  }
0x157: {  	s21 =	simm.s32 @!p0 $0x400;
	s20 =	sadd.s32 @!p0 $0x20, s2  }
0x158: {  	[tilespmem:s21], [sflag:$0x1] =	stream.strided.gather @!p0 [hbm4b:s20+s11], $0x400, s12, s11, $0x38;
	[tilespmem:$0x18000] =	vst v63  }
0x159: {  	s20 =	sadd.s32 @!p0 $0x40, s2  }
0x15a: {  	[tilespmem:s12], [sflag:$0x1] =	stream.strided.gather @!p0 [hbm4b:s20+s11], $0x400, s12, s11, $0x38;
	[tilespmem:$0x18000] =	vst v63  }
0x15b: {  	s21 =	simm.s32 @!p0 $0xC00;
	s20 =	sadd.s32 @!p0 $0x60, s2  }
0x15c: {  	[tilespmem:s21], [sflag:$0x1] =	stream.strided.gather @!p0 [hbm4b:s20+s11], $0x400, s12, s11, $0x38;
	[tilespmem:$0x18000] =	vst v63  }
0x15d: {  	s20 =	sadd.s32 @!p0 $0x80, s2;
	s21 =	simm.s32 @!p0 $0x1000  }
0x15e: {  	[tilespmem:s21], [sflag:$0x1] =	stream.strided.gather @!p0 [hbm4b:s20+s11], $0x400, s12, s11, $0x38;
	[tilespmem:$0x18000] =	vst v63  }
0x15f: {  	s20 =	sadd.s32 @!p0 $0xA0, s2;
	s21 =	simm.s32 @!p0 $0x1400  }
0x160: {  	[tilespmem:s21], [sflag:$0x1] =	stream.strided.gather @!p0 [hbm4b:s20+s11], $0x400, s12, s11, $0x38;
	[tilespmem:$0x18000] =	vst v63  }
0x161: {  	s20 =	sadd.s32 @!p0 $0xC0, s2;
	s21 =	simm.s32 @!p0 $0x1800  }
0x162: {  	[tilespmem:s21], [sflag:$0x1] =	stream.strided.gather @!p0 [hbm4b:s20+s11], $0x400, s12, s11, $0x38;
	[tilespmem:$0x18000] =	vst v63  }
0x163: {  	s2 =	sadd.s32 @!p0 $0xE0, s2;
	s20 =	simm.s32 @!p0 $0x1C00  }
0x164: {  	[tilespmem:s20], [sflag:$0x1] =	stream.strided.gather @!p0 [hbm4b:s2+s11], $0x400, s12, s11, $0x38;
	[tilespmem:$0x18000] =	vst v63  }
0x165: {  	s2 =	sadd.s32 @!p0 s10, s8;
	s10 =	simm.s32 @!p0 $0x8000  }
0x166: {  	[tilespmem:s10], [sflag:$0x5] =	stream.strided.gather @!p0 [hbm4b:s2+s11], $0x400, s12, s11, $0x38;
	[tilespmem:$0x18000] =	vst v63  }
0x167: {  	s20 =	simm.s32 @!p0 $0x8400;
	s10 =	sadd.s32 @!p0 $0x20, s2  }
0x168: {  	[tilespmem:s20], [sflag:$0x5] =	stream.strided.gather @!p0 [hbm4b:s10+s11], $0x400, s12, s11, $0x38;
	[tilespmem:$0x18000] =	vst v63  }
0x169: {  	s10 =	sadd.s32 @!p0 $0x40, s2;
	s20 =	simm.s32 @!p0 $0x8800  }
0x16a: {  	[tilespmem:s20], [sflag:$0x5] =	stream.strided.gather @!p0 [hbm4b:s10+s11], $0x400, s12, s11, $0x38;
	[tilespmem:$0x18000] =	vst v63  }
0x16b: {  	s10 =	sadd.s32 @!p0 $0x60, s2;
	s20 =	simm.s32 @!p0 $0x8C00  }
0x16c: {  	[tilespmem:s20], [sflag:$0x5] =	stream.strided.gather @!p0 [hbm4b:s10+s11], $0x400, s12, s11, $0x38;
	[tilespmem:$0x18000] =	vst v63  }
0x16d: {  	s10 =	sadd.s32 @!p0 $0x80, s2;
	s20 =	simm.s32 @!p0 $0x9000  }
0x16e: {  	[tilespmem:s20], [sflag:$0x5] =	stream.strided.gather @!p0 [hbm4b:s10+s11], $0x400, s12, s11, $0x38;
	[tilespmem:$0x18000] =	vst v63  }
0x16f: {  	s10 =	sadd.s32 @!p0 $0xA0, s2;
	s20 =	simm.s32 @!p0 $0x9400  }
0x170: {  	[tilespmem:s20], [sflag:$0x5] =	stream.strided.gather @!p0 [hbm4b:s10+s11], $0x400, s12, s11, $0x38;
	[tilespmem:$0x18000] =	vst v63  }
0x171: {  	s10 =	sadd.s32 @!p0 $0xC0, s2;
	s20 =	simm.s32 @!p0 $0x9800  }
0x172: {  	[tilespmem:s20], [sflag:$0x5] =	stream.strided.gather @!p0 [hbm4b:s10+s11], $0x400, s12, s11, $0x38;
	[tilespmem:$0x18000] =	vst v63  }
0x173: {  	s2 =	sadd.s32 @!p0 $0xE0, s2;
	s10 =	simm.s32 @!p0 $0x9C00  }
0x174: {  	[tilespmem:s10], [sflag:$0x5] =	stream.strided.gather @!p0 [hbm4b:s2+s11], $0x400, s12, s11, $0x38;
	[tilespmem:$0x18000] =	vst v63  }
0x175: {  	s2 =	sshll.u32 @!p0 s9, $0x7  }
0x176: {  	s9 =	simm.s32 @!p0 $0x10000;
	s2 =	sadd.s32 @!p0 s3, s2  }
0x177: {  	[tilespmem:s9], [sflag:$0x9] =	stream.linear.gather @!p0 [hbm4b:s2+s17], $0x2000, $0x38;
	[tilespmem:$0x18000] =	vst v63  }
0x178: {  	_ =	swait.ge [sflag:s23], $0x2000  }
0x179: {  	[sflag:s23] =	ssyncset.done $0x0  }
0x17a: {  	[sflag:s23] =	ssyncadd.s32 $0xFFFFE000  }
0x17b: {  	_ =	swait.ge [sflag:s24], $0x2000  }
0x17c: {  	[sflag:s24] =	ssyncset.done $0x0  }
0x17d: {  	s11 =	simm.s32 $0x0;
	[sflag:s24] =	ssyncadd.s32 $0xFFFFE000  }
0x17e: {  	s12 =	sand.u32 $0x1C00, s11;
	s17 =	sand.u32 $0x380, s11;
	_ =	swait.ge [sflag:s16], $0x2000  }
0x17f: {  	s2 =	sand.u32 $0x60, s11;
	s9 =	sor.u32 s17, s12;
	[sflag:s16] =	ssyncset.done $0x0  }
0x180: {  	s9 =	sor.u32 s2, s9;
	[sflag:s16] =	ssyncadd.s32 $0xFFFFE000  }
0x181: {  	v0 =	vld [tilespmem:s9+$0xC010]  }
0x182: {  	v4 =	vld [tilespmem:s9+$0x4010]  }
0x183: {  	s21 =	simm.s32 $0x4;
	s20 =	simm.s32 $0x100;
	v8 =	vld [tilespmem:s9+$0x4000]  }
0x184: {  	s10 =	sand.u32 $0x380, s21;
	s12 =	simm.s32 $0x20;
	s2 =	sand.u32 $0x1C00, s20;
	v2 =	vld [tilespmem:s9+$0xC000]  }
0x185: {  	s22 =	sand.u32 $0x60, s12;
	s2 =	sor.u32 s10, s2;
	v7 =	vld [tilespmem:s9+$0x14000]  }
0x186: {  	s11 =	sor.u32 s22, s2;
	v5 =	vld [tilespmem:s9+$0x14010]  }
0x187: {  	v3 =	vld [tilespmem:s11+$0xC010]  }
0x188: {  	v1 =	vld [tilespmem:s11+$0x4010]  }
0x189: {  	s17 =	simm.s32 $0x2;
	s10 =	simm.s32 $0x8;
	s2 =	simm.s32 $0x200;
	v6 =	vld [tilespmem:s11+$0x4000]  }
.LBB2_7:
0x18a: {  	s20 =	sand.u32 $0x1C00, s2;
	s17 =	sadd.s32 $0x2, s17  }
0x18b: {  	s21 =	sand.u32 $0x380, s10;
	s12 =	sadd.s32 $0x20, s12;
	v8 =	vadd.f32 v8, v7;
	v9 =	vadd.f32 v2, v7;
	v2 =	vld [tilespmem:s11+$0xC000];
	p1 =	slt.u32 s17, $0x1FE  }
.Ltmp2:
0x18c: {  	s22 =	sand.u32 $0x60, s12;
	s20 =	sor.u32 s21, s20;
	v7 =	vld [tilespmem:s11+$0x14000];
	v10 =	vadd.f32 v4, v5;
	v11 =	vadd.f32 v0, v5;
	(pc) =	sbr.rel @p1 .LBB2_7-.Ltmp2, $4  }
0x18d: {  	s21 =	smov.u32 s11;
	v5 =	vld [tilespmem:s11+$0x14010];
	[tilespmem:s9+$0x4000] =	vst v8;
	v0 =	vmov v3;
	s11 =	sor.u32 s22, s20  }
0x18e: {  	v3 =	vld [tilespmem:s11+$0xC010];
	[tilespmem:s9+$0xC010] =	vst v11;
	v4 =	vmov v1  }
0x18f: {  	v1 =	vld [tilespmem:s11+$0x4010];
	[tilespmem:s9+$0xC000] =	vst v9;
	v8 =	vmov v6  }
0x190: {  	s2 =	sadd.s32 $0x100, s2;
	s10 =	sadd.s32 $0x4, s10;
	v6 =	vld [tilespmem:s11+$0x4000];
	[tilespmem:s9+$0x4010] =	vst v10;
	s9 =	smov.u32 s21  }
0x191: {  	v9 =	vld [tilespmem:s11+$0x14000]  }
0x192: {  	v8 =	vadd.f32 v8, v7;
	v10 =	vld [tilespmem:s11+$0x14010]  }
0x193: {  	v11 =	vld [tilespmem:s11+$0xC000];
	v2 =	vadd.f32 v2, v7  }
0x194: {  	v0 =	vadd.f32 v0, v5;
	[tilespmem:s9+$0x4000] =	vst v8  }
0x195: {  	v4 =	vadd.f32 v4, v5;
	[tilespmem:s9+$0xC000] =	vst v2  }
0x196: {  	[tilespmem:s9+$0xC010] =	vst v0;
	v60 =	vadd.f32 v6, v9  }
0x197: {  	[tilespmem:s9+$0x4010] =	vst v4;
	v61 =	vadd.f32 v3, v10  }
0x198: {  	s2 =	sshll.u32 s5, $0xE;
	v62 =	vadd.f32 v11, v9;
	[tilespmem:s11+$0x4000] =	vst v60  }
0x199: {  	s2 =	sadd.s32 s14, s2;
	v63 =	vadd.f32 v1, v10;
	[tilespmem:s11+$0xC010] =	vst v61  }
0x19a: {  	s2 =	sshrl.u32 s2, $0x3;
	[tilespmem:s11+$0xC000] =	vst v62  }
0x19b: {  	s21 =	simm.s32 $0x4000;
	s5 =	sadd.s32 s4, s2;
	[tilespmem:s11+$0x4010] =	vst v63  }
0x19c: {  	[hbm4b:s5+s31] =	stream.strided.scatter [tilespmem:s21], [sflag:$0xF], $0x400, s0, s31, $0x38;
	[tilespmem:$0x18000] =	vst v63  }
0x19d: {  	s22 =	simm.s32 $0x4400;
	s17 =	sadd.s32 $0x20, s5  }
0x19e: {  	[hbm4b:s17+s31] =	stream.strided.scatter [tilespmem:s22], [sflag:$0xF], $0x400, s0, s31, $0x38;
	[tilespmem:$0x18000] =	vst v63  }
0x19f: {  	s10 =	simm.s32 $0x4800;
	s20 =	sadd.s32 $0x40, s5  }
0x1a0: {  	[hbm4b:s20+s31] =	stream.strided.scatter [tilespmem:s10], [sflag:$0xF], $0x400, s0, s31, $0x38;
	[tilespmem:$0x18000] =	vst v63  }
0x1a1: {  	s12 =	simm.s32 $0x4C00;
	s11 =	sadd.s32 $0x60, s5  }
0x1a2: {  	[hbm4b:s11+s31] =	stream.strided.scatter [tilespmem:s12], [sflag:$0xF], $0x400, s0, s31, $0x38;
	[tilespmem:$0x18000] =	vst v63  }
0x1a3: {  	s17 =	sadd.s32 $0x80, s5;
	s20 =	simm.s32 $0x5000  }
0x1a4: {  	[hbm4b:s17+s31] =	stream.strided.scatter [tilespmem:s20], [sflag:$0xF], $0x400, s0, s31, $0x38;
	[tilespmem:$0x18000] =	vst v63  }
0x1a5: {  	s11 =	sadd.s32 $0xA0, s5;
	s12 =	simm.s32 $0x5400  }
0x1a6: {  	[hbm4b:s11+s31] =	stream.strided.scatter [tilespmem:s12], [sflag:$0xF], $0x400, s0, s31, $0x38;
	[tilespmem:$0x18000] =	vst v63  }
0x1a7: {  	s17 =	sadd.s32 $0xC0, s5;
	s20 =	simm.s32 $0x5800  }
0x1a8: {  	[hbm4b:s17+s31] =	stream.strided.scatter [tilespmem:s20], [sflag:$0xF], $0x400, s0, s31, $0x38;
	[tilespmem:$0x18000] =	vst v63  }
0x1a9: {  	s5 =	sadd.s32 $0xE0, s5;
	s11 =	simm.s32 $0x5C00  }
0x1aa: {  	[hbm4b:s5+s31] =	stream.strided.scatter [tilespmem:s11], [sflag:$0xF], $0x400, s0, s31, $0x38;
	[tilespmem:$0x18000] =	vst v63  }
0x1ab: {  	s2 =	sadd.s32 s2, s15;
	s12 =	simm.s32 $0xC000  }
0x1ac: {  	[hbm4b:s2+s31] =	stream.strided.scatter [tilespmem:s12], [sflag:$0x13], $0x400, s0, s31, $0x38;
	[tilespmem:$0x18000] =	vst v63  }
0x1ad: {  	s17 =	sadd.s32 $0x20, s2;
	s20 =	simm.s32 $0xC400  }
0x1ae: {  	[hbm4b:s17+s31] =	stream.strided.scatter [tilespmem:s20], [sflag:$0x13], $0x400, s0, s31, $0x38;
	[tilespmem:$0x18000] =	vst v63  }
0x1af: {  	s9 =	sadd.s32 $0x40, s2;
	s10 =	simm.s32 $0xC800  }
0x1b0: {  	[hbm4b:s9+s31] =	stream.strided.scatter [tilespmem:s10], [sflag:$0x13], $0x400, s0, s31, $0x38;
	[tilespmem:$0x18000] =	vst v63  }
0x1b1: {  	s11 =	sadd.s32 $0x60, s2;
	s12 =	simm.s32 $0xCC00  }
0x1b2: {  	[hbm4b:s11+s31] =	stream.strided.scatter [tilespmem:s12], [sflag:$0x13], $0x400, s0, s31, $0x38;
	[tilespmem:$0x18000] =	vst v63  }
0x1b3: {  	s17 =	sadd.s32 $0x80, s2;
	s20 =	simm.s32 $0xD000  }
0x1b4: {  	[hbm4b:s17+s31] =	stream.strided.scatter [tilespmem:s20], [sflag:$0x13], $0x400, s0, s31, $0x38;
	[tilespmem:$0x18000] =	vst v63  }
0x1b5: {  	s10 =	sadd.s32 $0xA0, s2;
	s11 =	simm.s32 $0xD400  }
0x1b6: {  	[hbm4b:s10+s31] =	stream.strided.scatter [tilespmem:s11], [sflag:$0x13], $0x400, s0, s31, $0x38;
	[tilespmem:$0x18000] =	vst v63  }
.Ltmp3:
0x1b7: {  	_ = 	snop;
	(pc) =	sbr.rel @p0 .LBB2_10-.Ltmp3, $4  }
0x1b8: {  	s12 =	sadd.s32 $0xC0, s2;
	s17 =	simm.s32 $0xD800  }
0x1b9: {  	[hbm4b:s12+s31] =	stream.strided.scatter [tilespmem:s17], [sflag:$0x13], $0x400, s0, s31, $0x38;
	[tilespmem:$0x18000] =	vst v63  }
0x1ba: {  	s2 =	sadd.s32 $0xE0, s2;
	s20 =	simm.s32 $0xDC00  }
0x1bb: {  	[hbm4b:s2+s31] =	stream.strided.scatter [tilespmem:s20], [sflag:$0x13], $0x400, s0, s31, $0x38;
	[tilespmem:$0x18000] =	vst v63  }
0x1bc: {  	s2 =	simm.s32 $0xE  }
0x1bd: {  	_ =	swait.ge [sflag:s2], $0x2000  }
0x1be: {  	[sflag:s2] =	ssyncset.done $0x0  }
0x1bf: {  	s9 =	simm.s32 $0x12;
	[sflag:s2] =	ssyncadd.s32 $0xFFFFE000  }
0x1c0: {  	_ =	swait.ge [sflag:s9], $0x2000  }
0x1c1: {  	s10 =	rddreg [dreg:$0xb]  }
0x1c2: {  	s2 =	sadd.s32 s7, s10  }
0x1c3: {  	[sflag:s9] =	ssyncset.done $0x0;
	s5 =	sshll.u32 s2, $0x8  }
0x1c4: {  	s11 =	simm.s32 $0x2000;
	[sflag:s9] =	ssyncadd.s32 $0xFFFFE000;
	s7 =	sadd.s32 s1, s5  }
0x1c5: {  	[tilespmem:s11], [sflag:$0x2] =	stream.strided.gather [hbm4b:s7+s31], $0x400, s0, s31, $0x38;
	[tilespmem:$0x18000] =	vst v63  }
0x1c6: {  	s10 =	simm.s32 $0x2400;
	s12 =	sadd.s32 $0x20, s7  }
0x1c7: {  	[tilespmem:s10], [sflag:$0x2] =	stream.strided.gather [hbm4b:s12+s31], $0x400, s0, s31, $0x38;
	[tilespmem:$0x18000] =	vst v63  }
0x1c8: {  	s20 =	simm.s32 $0x2800;
	s17 =	sadd.s32 $0x40, s7  }
0x1c9: {  	[tilespmem:s20], [sflag:$0x2] =	stream.strided.gather [hbm4b:s17+s31], $0x400, s0, s31, $0x38;
	[tilespmem:$0x18000] =	vst v63  }
0x1ca: {  	s11 =	sadd.s32 $0x60, s7;
	s12 =	simm.s32 $0x2C00  }
0x1cb: {  	[tilespmem:s12], [sflag:$0x2] =	stream.strided.gather [hbm4b:s11+s31], $0x400, s0, s31, $0x38;
	[tilespmem:$0x18000] =	vst v63  }
0x1cc: {  	s17 =	sadd.s32 $0x80, s7;
	s20 =	simm.s32 $0x3000  }
0x1cd: {  	[tilespmem:s20], [sflag:$0x2] =	stream.strided.gather [hbm4b:s17+s31], $0x400, s0, s31, $0x38;
	[tilespmem:$0x18000] =	vst v63  }
0x1ce: {  	s10 =	sadd.s32 $0xA0, s7;
	s11 =	simm.s32 $0x3400  }
0x1cf: {  	[tilespmem:s11], [sflag:$0x2] =	stream.strided.gather [hbm4b:s10+s31], $0x400, s0, s31, $0x38;
	[tilespmem:$0x18000] =	vst v63  }
0x1d0: {  	s12 =	sadd.s32 $0xC0, s7;
	s17 =	simm.s32 $0x3800  }
0x1d1: {  	[tilespmem:s17], [sflag:$0x2] =	stream.strided.gather [hbm4b:s12+s31], $0x400, s0, s31, $0x38;
	[tilespmem:$0x18000] =	vst v63  }
0x1d2: {  	s7 =	sadd.s32 $0xE0, s7;
	s20 =	simm.s32 $0x3C00  }
0x1d3: {  	[tilespmem:s20], [sflag:$0x2] =	stream.strided.gather [hbm4b:s7+s31], $0x400, s0, s31, $0x38;
	[tilespmem:$0x18000] =	vst v63  }
0x1d4: {  	s5 =	sadd.s32 s5, s8;
	s10 =	simm.s32 $0xA000  }
0x1d5: {  	[tilespmem:s10], [sflag:$0x6] =	stream.strided.gather [hbm4b:s5+s31], $0x400, s0, s31, $0x38;
	[tilespmem:$0x18000] =	vst v63  }
0x1d6: {  	s11 =	sadd.s32 $0x20, s5;
	s12 =	simm.s32 $0xA400  }
0x1d7: {  	[tilespmem:s12], [sflag:$0x6] =	stream.strided.gather [hbm4b:s11+s31], $0x400, s0, s31, $0x38;
	[tilespmem:$0x18000] =	vst v63  }
0x1d8: {  	s17 =	sadd.s32 $0x40, s5;
	s20 =	simm.s32 $0xA800  }
0x1d9: {  	[tilespmem:s20], [sflag:$0x6] =	stream.strided.gather [hbm4b:s17+s31], $0x400, s0, s31, $0x38;
	[tilespmem:$0x18000] =	vst v63  }
0x1da: {  	s9 =	sadd.s32 $0x60, s5;
	s10 =	simm.s32 $0xAC00  }
0x1db: {  	[tilespmem:s10], [sflag:$0x6] =	stream.strided.gather [hbm4b:s9+s31], $0x400, s0, s31, $0x38;
	[tilespmem:$0x18000] =	vst v63  }
0x1dc: {  	s11 =	sadd.s32 $0x80, s5;
	s12 =	simm.s32 $0xB000  }
0x1dd: {  	[tilespmem:s12], [sflag:$0x6] =	stream.strided.gather [hbm4b:s11+s31], $0x400, s0, s31, $0x38;
	[tilespmem:$0x18000] =	vst v63  }
0x1de: {  	s17 =	sadd.s32 $0xA0, s5;
	s20 =	simm.s32 $0xB400  }
0x1df: {  	[tilespmem:s20], [sflag:$0x6] =	stream.strided.gather [hbm4b:s17+s31], $0x400, s0, s31, $0x38;
	[tilespmem:$0x18000] =	vst v63  }
0x1e0: {  	s10 =	sadd.s32 $0xC0, s5;
	s11 =	simm.s32 $0xB800  }
0x1e1: {  	[tilespmem:s11], [sflag:$0x6] =	stream.strided.gather [hbm4b:s10+s31], $0x400, s0, s31, $0x38;
	[tilespmem:$0x18000] =	vst v63  }
0x1e2: {  	s2 =	sshll.u32 s2, $0x7;
	s5 =	sadd.s32 $0xE0, s5;
	s12 =	simm.s32 $0xBC00  }
0x1e3: {  	[tilespmem:s12], [sflag:$0x6] =	stream.strided.gather [hbm4b:s5+s31], $0x400, s0, s31, $0x38;
	[tilespmem:$0x18000] =	vst v63  }
0x1e4: {  	s2 =	sadd.s32 s3, s2;
	s17 =	simm.s32 $0x0;
	s20 =	simm.s32 $0x12000  }
0x1e5: {  	[tilespmem:s20], [sflag:$0xA] =	stream.linear.gather [hbm4b:s2+s17], $0x2000, $0x38;
	[tilespmem:$0x18000] =	vst v63  }
.LBB2_10:
0x1e6: {  	_ =	swait.ge [sflag:s25], $0x2000  }
0x1e7: {  	[sflag:s25] =	ssyncset.done $0x0  }
0x1e8: {  	[sflag:s25] =	ssyncadd.s32 $0xFFFFE000  }
0x1e9: {  	_ =	swait.ge [sflag:s26], $0x2000  }
0x1ea: {  	[sflag:s26] =	ssyncset.done $0x0  }
0x1eb: {  	s2 =	simm.s32 $0x0;
	[sflag:s26] =	ssyncadd.s32 $0xFFFFE000  }
0x1ec: {  	s5 =	sand.u32 $0x1C00, s2;
	s7 =	sand.u32 $0x380, s2;
	_ =	swait.ge [sflag:s28], $0x2000  }
0x1ed: {  	s2 =	sand.u32 $0x60, s2;
	s5 =	sor.u32 s7, s5;
	[sflag:s28] =	ssyncset.done $0x0  }
0x1ee: {  	s5 =	sor.u32 s2, s5;
	[sflag:s28] =	ssyncadd.s32 $0xFFFFE000  }
0x1ef: {  	v0 =	vld [tilespmem:s5+$0xE010]  }
0x1f0: {  	v4 =	vld [tilespmem:s5+$0x6010]  }
0x1f1: {  	s17 =	simm.s32 $0x100;
	s20 =	simm.s32 $0x4;
	v8 =	vld [tilespmem:s5+$0x6000]  }
0x1f2: {  	s9 =	simm.s32 $0x20;
	s7 =	sand.u32 $0x380, s20;
	s2 =	sand.u32 $0x1C00, s17;
	v2 =	vld [tilespmem:s5+$0xE000]  }
0x1f3: {  	s10 =	sand.u32 $0x60, s9;
	s2 =	sor.u32 s7, s2;
	v7 =	vld [tilespmem:s5+$0x16000]  }
0x1f4: {  	s7 =	sor.u32 s10, s2;
	v5 =	vld [tilespmem:s5+$0x16010]  }
0x1f5: {  	v3 =	vld [tilespmem:s7+$0xE010]  }
0x1f6: {  	v1 =	vld [tilespmem:s7+$0x6010]  }
0x1f7: {  	s11 =	simm.s32 $0x2;
	s2 =	simm.s32 $0x200;
	s10 =	simm.s32 $0x8;
	v6 =	vld [tilespmem:s7+$0x6000]  }
.LBB2_11:
0x1f8: {  	s12 =	sand.u32 $0x1C00, s2;
	s11 =	sadd.s32 $0x2, s11  }
0x1f9: {  	s17 =	sand.u32 $0x380, s10;
	s9 =	sadd.s32 $0x20, s9;
	v8 =	vadd.f32 v8, v7;
	v9 =	vadd.f32 v2, v7;
	v2 =	vld [tilespmem:s7+$0xE000];
	p0 =	slt.u32 s11, $0x1FE  }
.Ltmp4:
0x1fa: {  	s20 =	sand.u32 $0x60, s9;
	s12 =	sor.u32 s17, s12;
	v7 =	vld [tilespmem:s7+$0x16000];
	v10 =	vadd.f32 v4, v5;
	v11 =	vadd.f32 v0, v5;
	(pc) =	sbr.rel @p0 .LBB2_11-.Ltmp4, $4  }
0x1fb: {  	s17 =	smov.u32 s7;
	v5 =	vld [tilespmem:s7+$0x16010];
	[tilespmem:s5+$0x6000] =	vst v8;
	v0 =	vmov v3;
	s7 =	sor.u32 s20, s12  }
0x1fc: {  	v3 =	vld [tilespmem:s7+$0xE010];
	[tilespmem:s5+$0xE010] =	vst v11;
	v4 =	vmov v1  }
0x1fd: {  	v1 =	vld [tilespmem:s7+$0x6010];
	[tilespmem:s5+$0xE000] =	vst v9;
	v8 =	vmov v6  }
0x1fe: {  	s2 =	sadd.s32 $0x100, s2;
	s10 =	sadd.s32 $0x4, s10;
	v6 =	vld [tilespmem:s7+$0x6000];
	[tilespmem:s5+$0x6010] =	vst v10;
	s5 =	smov.u32 s17  }
0x1ff: {  	v9 =	vld [tilespmem:s7+$0x16000]  }
0x200: {  	v8 =	vadd.f32 v8, v7;
	v10 =	vld [tilespmem:s7+$0x16010]  }
0x201: {  	v11 =	vld [tilespmem:s7+$0xE000];
	v2 =	vadd.f32 v2, v7  }
0x202: {  	v0 =	vadd.f32 v0, v5;
	[tilespmem:s5+$0x6000] =	vst v8  }
0x203: {  	v4 =	vadd.f32 v4, v5;
	[tilespmem:s5+$0xE000] =	vst v2  }
0x204: {  	[tilespmem:s5+$0xE010] =	vst v0;
	v60 =	vadd.f32 v6, v9  }
0x205: {  	[tilespmem:s5+$0x6010] =	vst v4;
	v61 =	vadd.f32 v3, v10  }
0x206: {  	s2 =	sshll.u32 s30, $0xE;
	v62 =	vadd.f32 v11, v9;
	[tilespmem:s7+$0x6000] =	vst v60  }
0x207: {  	s2 =	sadd.s32 s14, s2;
	v63 =	vadd.f32 v1, v10;
	[tilespmem:s7+$0xE010] =	vst v61  }
0x208: {  	s2 =	sshrl.u32 s2, $0x3;
	[tilespmem:s7+$0xE000] =	vst v62  }
0x209: {  	s10 =	simm.s32 $0x6000;
	s5 =	sadd.s32 s4, s2;
	[tilespmem:s7+$0x6010] =	vst v63  }
0x20a: {  	[hbm4b:s5+s31] =	stream.strided.scatter [tilespmem:s10], [sflag:$0x10], $0x400, s0, s31, $0x38;
	[tilespmem:$0x18000] =	vst v63  }
0x20b: {  	s9 =	simm.s32 $0x6400;
	s11 =	sadd.s32 $0x20, s5  }
0x20c: {  	[hbm4b:s11+s31] =	stream.strided.scatter [tilespmem:s9], [sflag:$0x10], $0x400, s0, s31, $0x38;
	[tilespmem:$0x18000] =	vst v63  }
0x20d: {  	s17 =	simm.s32 $0x6800;
	s12 =	sadd.s32 $0x40, s5  }
0x20e: {  	[hbm4b:s12+s31] =	stream.strided.scatter [tilespmem:s17], [sflag:$0x10], $0x400, s0, s31, $0x38;
	[tilespmem:$0x18000] =	vst v63  }
0x20f: {  	s30 =	simm.s32 $0x6C00;
	s20 =	sadd.s32 $0x60, s5  }
0x210: {  	[hbm4b:s20+s31] =	stream.strided.scatter [tilespmem:s30], [sflag:$0x10], $0x400, s0, s31, $0x38;
	[tilespmem:$0x18000] =	vst v63  }
0x211: {  	s10 =	simm.s32 $0x7000;
	s9 =	sadd.s32 $0x80, s5  }
0x212: {  	[hbm4b:s9+s31] =	stream.strided.scatter [tilespmem:s10], [sflag:$0x10], $0x400, s0, s31, $0x38;
	[tilespmem:$0x18000] =	vst v63  }
0x213: {  	s11 =	sadd.s32 $0xA0, s5;
	s12 =	simm.s32 $0x7400  }
0x214: {  	[hbm4b:s11+s31] =	stream.strided.scatter [tilespmem:s12], [sflag:$0x10], $0x400, s0, s31, $0x38;
	[tilespmem:$0x18000] =	vst v63  }
0x215: {  	s17 =	sadd.s32 $0xC0, s5;
	s20 =	simm.s32 $0x7800  }
0x216: {  	[hbm4b:s17+s31] =	stream.strided.scatter [tilespmem:s20], [sflag:$0x10], $0x400, s0, s31, $0x38;
	[tilespmem:$0x18000] =	vst v63  }
0x217: {  	s5 =	sadd.s32 $0xE0, s5;
	s30 =	simm.s32 $0x7C00  }
0x218: {  	[hbm4b:s5+s31] =	stream.strided.scatter [tilespmem:s30], [sflag:$0x10], $0x400, s0, s31, $0x38;
	[tilespmem:$0x18000] =	vst v63  }
0x219: {  	s2 =	sadd.s32 s2, s15;
	s9 =	simm.s32 $0xE000  }
0x21a: {  	[hbm4b:s2+s31] =	stream.strided.scatter [tilespmem:s9], [sflag:$0x14], $0x400, s0, s31, $0x38;
	[tilespmem:$0x18000] =	vst v63  }
0x21b: {  	s10 =	sadd.s32 $0x20, s2;
	s11 =	simm.s32 $0xE400  }
0x21c: {  	[hbm4b:s10+s31] =	stream.strided.scatter [tilespmem:s11], [sflag:$0x14], $0x400, s0, s31, $0x38;
	[tilespmem:$0x18000] =	vst v63  }
0x21d: {  	s12 =	sadd.s32 $0x40, s2;
	s17 =	simm.s32 $0xE800  }
0x21e: {  	[hbm4b:s12+s31] =	stream.strided.scatter [tilespmem:s17], [sflag:$0x14], $0x400, s0, s31, $0x38;
	[tilespmem:$0x18000] =	vst v63  }
0x21f: {  	s20 =	sadd.s32 $0x60, s2;
	s30 =	simm.s32 $0xEC00  }
0x220: {  	[hbm4b:s20+s31] =	stream.strided.scatter [tilespmem:s30], [sflag:$0x14], $0x400, s0, s31, $0x38;
	[tilespmem:$0x18000] =	vst v63  }
0x221: {  	s29 =	sadd.s32 $0x1, s29;
	s9 =	sadd.s32 $0x80, s2;
	s10 =	simm.s32 $0xF000  }
0x222: {  	[hbm4b:s9+s31] =	stream.strided.scatter [tilespmem:s10], [sflag:$0x14], $0x400, s0, s31, $0x38;
	[tilespmem:$0x18000] =	vst v63  }
0x223: {  	p0 =	sne.s32 s29, $0x8;
	s11 =	sadd.s32 $0xA0, s2;
	s12 =	simm.s32 $0xF400  }
0x224: {  	[hbm4b:s11+s31] =	stream.strided.scatter [tilespmem:s12], [sflag:$0x14], $0x400, s0, s31, $0x38;
	[tilespmem:$0x18000] =	vst v63  }
.Ltmp5:
0x225: {  	_ = 	snop;
	(pc) =	sbr.rel @p0 .LBB2_2-.Ltmp5, $4  }
0x226: {  	s17 =	sadd.s32 $0xC0, s2;
	s20 =	simm.s32 $0xF800  }
0x227: {  	[hbm4b:s17+s31] =	stream.strided.scatter [tilespmem:s20], [sflag:$0x14], $0x400, s0, s31, $0x38;
	[tilespmem:$0x18000] =	vst v63  }
0x228: {  	s2 =	sadd.s32 $0xE0, s2;
	s30 =	simm.s32 $0xFC00  }
0x229: {  	[hbm4b:s2+s31] =	stream.strided.scatter [tilespmem:s30], [sflag:$0x14], $0x400, s0, s31, $0x38;
	[tilespmem:$0x18000] =	vst v63  }
0x22a: {  	s2 =	simm.s32 $0xD  }
0x22b: {  	_ =	swait.ge [sflag:s2], $0x2000  }
0x22c: {  	[sflag:s2] =	ssyncset.done $0x0  }
0x22d: {  	s10 =	simm.s32 $0x11;
	[sflag:s2] =	ssyncadd.s32 $0xFFFFE000  }
0x22e: {  	_ =	swait.ge [sflag:s10], $0x2000  }
0x22f: {  	[sflag:s10] =	ssyncset.done $0x0  }
0x230: {  	s11 =	simm.s32 $0xE;
	[sflag:s10] =	ssyncadd.s32 $0xFFFFE000  }
0x231: {  	_ =	swait.ge [sflag:s11], $0x2000  }
0x232: {  	[sflag:s11] =	ssyncset.done $0x0  }
0x233: {  	s12 =	simm.s32 $0x12;
	[sflag:s11] =	ssyncadd.s32 $0xFFFFE000  }
0x234: {  	_ =	swait.ge [sflag:s12], $0x2000  }
0x235: {  	[sflag:s12] =	ssyncset.done $0x0  }
0x236: {  	s17 =	simm.s32 $0xF;
	[sflag:s12] =	ssyncadd.s32 $0xFFFFE000  }
0x237: {  	_ =	swait.ge [sflag:s17], $0x2000  }
0x238: {  	[sflag:s17] =	ssyncset.done $0x0  }
0x239: {  	s20 =	simm.s32 $0x13;
	[sflag:s17] =	ssyncadd.s32 $0xFFFFE000  }
0x23a: {  	_ =	swait.ge [sflag:s20], $0x2000  }
0x23b: {  	[sflag:s20] =	ssyncset.done $0x0  }
0x23c: {  	s29 =	simm.s32 $0x10;
	[sflag:s20] =	ssyncadd.s32 $0xFFFFE000  }
0x23d: {  	_ =	swait.ge [sflag:s29], $0x2000  }
0x23e: {  	[sflag:s29] =	ssyncset.done $0x0  }
0x23f: {  	s5 =	simm.s32 $0x14;
	[sflag:s29] =	ssyncadd.s32 $0xFFFFE000  }
0x240: {  	_ =	swait.ge [sflag:s5], $0x2000  }
0x241: {  	s7 =	sld [smem:$0x7F4];
	_ =	sdelay $0x2  }
0x242: {  	s30 =	rddreg [dreg:$0xc];
	s7 =	sadd.s32 $0x1, s7  }
0x243: {  	p0 =	sne.s32 s7, s30  }
.Ltmp6:
0x244: {  	_ = 	snop;
	(pc) =	sbr.rel @p0 .LBB2_1-.Ltmp6, $3  }
0x245: {  	_ =	sdelay $0x1  }
0x246: {  	[sflag:s5] =	ssyncset.done $0x0  }
0x247: {  	[sflag:s5] =	ssyncadd.s32 $0xFFFFE000  }
0x248: {  	_ =	sfence.sel $0x180000  }
0x249: {  	[bflag:$0x0] =	sbarrier.arrive $0xFFFF  }
0x24a: {  	_ =	strace $0x90000047  }
0x24b: {  	s0 =	stileid.u32;
	[bflag:$0x2] =	sbarrier.arrive $0xFFFF  }
0x24c: {  	p0 =	sne.s32 s0, $0x0;
	s0 =	rddreg [dreg:$0x3]  }
0x24d: {  	s0 =	sadd.s32 @!p0 $0x100000, s0  }
0x24e: {  	[sflag:s0] =	ssyncadd.tile.s32 @!p0 $0x1;
	_ =	shalt  }
.Lfunc_end2:
_tile_overlayer_lowered:
.L_overlay_start_2:
0x24f: {  	(tag) =	ssettag $0x2  }
0x250: {  	s0 =	rddreg [dreg:$0x0];
	s2 =	stileid.u32  }
0x251: {  	s1 =	rddreg [dreg:$0x1];
	p0 =	sne.s32 s2, $0x0  }
0x252: {  	s3 =	rddreg [dreg:$0x2];
	[bflag:$0x3] =	sbarrier.arrive $0xFFFF;
	s2 =	simm.s32 @!p0 $0x1C15  }
0x253: {  	[timem:s3], [sflag:s2] =	dma.local @!p0 [hbm:s0], s1  }
0x254: {  	s0 =	simm.s32 @!p0 $0x15  }
0x255: {  	_ =	swait.ge @!p0 [sflag:s0], s1  }
0x256: {  	s1 =	ssub.s32 @!p0 $0x0, s1;
	[sflag:s0] =	ssyncset.done @!p0 $0x0  }
0x257: {  	[sflag:s0] =	ssyncadd.s32 @!p0 s1  }
0x258: {  	[bflag:$0x3] =	sbarrier.arrive $0xFFFF  }
0x259: {  	_ =	shalt  }

</sc_bundles>
